<compile_context>
chip_gen: v7x
topology: tpu7x:2x2x1
jax: 0.10.2.dev20260603
libtpu: 0.0.44.dev20260713+nightly
codegen_flags: <defaults>
</compile_context>

<pallas_src>
import functools

import jax
import jax.numpy as jnp
from jax import lax
from jax.experimental import pallas as pl
from jax.experimental.pallas import tpu as pltpu
from jax.experimental.pallas import tpu_sc as plsc

_NC = 2
_NS = 16
_CHUNK = 128


def _sc_aggregate(h_lo, h_hi, src_i, dst_i, zer, *, np_, rpw, npw):
    mesh = plsc.VectorSubcoreMesh(core_axis_name="c", subcore_axis_name="s")
    fdt = jax.ShapeDtypeStruct((np_, 128), jnp.float32)
    rpp = rpw // 2

    @functools.partial(
        pl.kernel,
        out_type=(fdt, fdt),
        mesh=mesh,
        scratch_types=[
            pltpu.VMEM((rpp, _CHUNK), jnp.int32),
            pltpu.VMEM((rpp, _CHUNK), jnp.int32),
            pltpu.VMEM((_CHUNK, 128), jnp.float32),
            pltpu.VMEM((_CHUNK, 128), jnp.float32),
            pltpu.VMEM_SHARED((np_, 128), jnp.float32),
            pltpu.SemaphoreType.DMA,
            pltpu.SemaphoreType.DMA,
        ],
    )
    def agg_kernel(h_lo_hbm, h_hi_hbm, src_hbm, dst_hbm, zer_hbm,
                   out_lo, out_hi, idx_s, idx_d, rows0, rows1, shared,
                   sem0, sem1):
        c = lax.axis_index("c")
        s = lax.axis_index("s")
        nbase = s * npw

        pltpu.sync_copy(zer_hbm, shared.at[pl.ds(nbase, npw)])
        plsc.subcore_barrier()

        def phase(h_ref, p):
            row0 = s * rpw + p * rpp
            pltpu.sync_copy(src_hbm.at[pl.ds(row0, rpp)], idx_s)
            pltpu.sync_copy(dst_hbm.at[pl.ds(row0, rpp)], idx_d)

            pltpu.async_copy(h_ref.at[idx_s.at[0]], rows0, sem0)

            @pl.loop(0, rpp, step=2)
            def _(g):
                pltpu.async_copy(h_ref.at[idx_s.at[g + 1]], rows1, sem1)
                pltpu.make_async_copy(h_ref.at[idx_s.at[g]], rows0, sem0).wait()
                pltpu.sync_copy(rows0, shared.at[idx_d.at[g]], add=True)

                @pl.when(g + 2 < rpp)
                def _():
                    pltpu.async_copy(h_ref.at[idx_s.at[g + 2]], rows0, sem0)

                pltpu.make_async_copy(h_ref.at[idx_s.at[g + 1]], rows1, sem1).wait()
                pltpu.sync_copy(rows1, shared.at[idx_d.at[g + 1]], add=True)

        def run(h_ref):
            phase(h_ref, 0)
            phase(h_ref, 1)

        @pl.when(c == 0)
        def _():
            run(h_lo_hbm)

        @pl.when(c == 1)
        def _():
            run(h_hi_hbm)

        plsc.subcore_barrier()

        @pl.when(c == 0)
        def _():
            pltpu.sync_copy(shared.at[pl.ds(nbase, npw)],
                            out_lo.at[pl.ds(nbase, npw)])

        @pl.when(c == 1)
        def _():
            pltpu.sync_copy(shared.at[pl.ds(nbase, npw)],
                            out_hi.at[pl.ds(nbase, npw)])

    return agg_kernel(h_lo, h_hi, src_i, dst_i, zer)


def _tc_mlp_ln(h, alo, ahi, W1, b1, W2, b2, ope, ls, lb, *, bn):
    n, d = h.shape

    def body(h_ref, alo_ref, ahi_ref, w1_ref, b1_ref, w2_ref, b2_ref,
             ope_ref, ls_ref, lb_ref, o_ref):
        hb = h_ref[...]
        pre = ope_ref[0, 0] * hb + jnp.concatenate(
            [alo_ref[...], ahi_ref[...]], axis=1)
        hid = jnp.maximum(
            jnp.dot(pre, w1_ref[...], precision=lax.Precision.HIGHEST)
            + b1_ref[...], 0.0)
        hc = jnp.dot(hid, w2_ref[...], precision=lax.Precision.HIGHEST) \
            + b2_ref[...] + hb
        mu = jnp.mean(hc, axis=1, keepdims=True)
        xc = hc - mu
        var = jnp.mean(xc * xc, axis=1, keepdims=True)
        out = xc * lax.rsqrt(var + 1e-5) * ls_ref[...] + lb_ref[...]
        o_ref[...] = jnp.maximum(out, 0.0)

    full = lambda shape: pl.BlockSpec(shape, lambda i: (0, 0))
    return pl.pallas_call(
        body,
        grid=(n // bn,),
        in_specs=[
            pl.BlockSpec((bn, d), lambda i: (i, 0)),
            pl.BlockSpec((bn, 128), lambda i: (i, 0)),
            pl.BlockSpec((bn, 128), lambda i: (i, 0)),
            full((d, d)),
            full((1, d)),
            full((d, d)),
            full((1, d)),
            full((1, 1)),
            full((1, d)),
            full((1, d)),
        ],
        out_specs=pl.BlockSpec((bn, d), lambda i: (i, 0)),
        out_shape=jax.ShapeDtypeStruct((n, d), jnp.float32),
    )(h, alo, ahi, W1, b1, W2, b2, ope, ls, lb)


def kernel(h, edge_index, W1, b1, W2, b2, eps, ln_scale, ln_bias):
    n, d = h.shape
    e = edge_index.shape[1]
    assert d == 256

    npw = -(-n // _NS)
    npw = -(-npw // 8) * 8
    np_ = npw * _NS
    per = _NS * _CHUNK * 16
    e_pad = -(-e // per) * per
    r = e_pad // _CHUNK
    rpw = r // _NS

    src = edge_index[0].astype(jnp.int32)
    dst = edge_index[1].astype(jnp.int32)
    pad = jnp.full((e_pad - e,), n, jnp.int32)
    src_i = jnp.concatenate([src, pad]).reshape(r, _CHUNK)
    dst_i = jnp.concatenate([dst, pad]).reshape(r, _CHUNK)

    h_lo = jnp.pad(h[:, :128], ((0, np_ - n), (0, 0)))
    h_hi = jnp.pad(h[:, 128:], ((0, np_ - n), (0, 0)))
    zer = jnp.zeros((npw, 128), jnp.float32)

    alo, ahi = _sc_aggregate(h_lo, h_hi, src_i, dst_i, zer,
                             np_=np_, rpw=rpw, npw=npw)

    ope = (1.0 + eps).astype(jnp.float32).reshape(1, 1)
    return _tc_mlp_ln(h, alo, ahi, W1,
                      b1.reshape(1, d), W2, b2.reshape(1, d),
                      ope, ln_scale.reshape(1, d), ln_bias.reshape(1, d),
                      bn=1000)

# --- scband reference (transcript-rebuilt; emitter-appended) ---
"""Pipeline reference for scband-ginlayer-78194174591253 (READ-ONLY COPY).

The authoritative reference and input builder live on the scoring server;
editing this copy changes nothing except your own understanding.
"""

import jax, jax.numpy as jnp
import numpy as np

D = 256
N = 10000
E = 160000


def setup_inputs(seed: int = 0) -> dict:
    key = jax.random.key(seed)
    k = jax.random.split(key, 10)
    h = jax.random.normal(k[0], (N, D), dtype=jnp.float32)
    edge_index = jax.random.randint(k[1], (2, E), 0, N, dtype=jnp.int64)
    W1 = jax.random.normal(k[2], (D, D), dtype=jnp.float32) * 0.05
    b1 = jnp.zeros((D,), dtype=jnp.float32)
    W2 = jax.random.normal(k[3], (D, D), dtype=jnp.float32) * 0.05
    b2 = jnp.zeros((D,), dtype=jnp.float32)
    eps = jnp.zeros((), dtype=jnp.float32)  # GINConv train_eps=True, init 0.0
    ln_scale = jnp.ones((D,), dtype=jnp.float32)
    ln_bias = jnp.zeros((D,), dtype=jnp.float32)
    return {"h": h, "edge_index": edge_index, "W1": W1, "b1": b1, "W2": W2,
            "b2": b2, "eps": eps, "ln_scale": ln_scale, "ln_bias": ln_bias}


def _layer_norm(x, scale, bias, ln_eps=1e-5):
    mu = jnp.mean(x, axis=-1, keepdims=True)
    var = jnp.mean((x - mu) ** 2, axis=-1, keepdims=True)
    return (x - mu) / jnp.sqrt(var + ln_eps) * scale + bias


def reference(h, edge_index, W1, b1, W2, b2, eps, ln_scale, ln_bias):
    src = edge_index[0]
    dst = edge_index[1]
    # GINConv sum aggregation: scatter-add messages h[src] into dst
    agg = jnp.zeros_like(h).at[dst].add(h[src])
    pre = (1.0 + eps) * h + agg
    # gin_mlp: Linear -> ReLU -> Linear
    hidden = jnp.maximum(pre @ W1 + b1, 0.0)
    h_conv = hidden @ W2 + b2
    h_res = h_conv + h
    h_out = _layer_norm(h_res, ln_scale, ln_bias)
    h_out = jnp.maximum(h_out, 0.0)
    # dropout is identity in eval mode
    return h_out

if __name__ == "__main__":
    import jax
    _d = setup_inputs()
    print(jax.jit(kernel)(*tuple(_d.values())))

</pallas_src>

<mosaic_0001>
#map = affine_map<(d0, d1) -> (0, 0)>
module attributes {stable_mosaic.version = 14 : i64} {
  func.func @agg_kernel(%arg0: i32, %arg1: i32, %arg2: memref<10112x128xf32, #tpu.memory_space<hbm>>, %arg3: memref<10112x128xf32, #tpu.memory_space<hbm>>, %arg4: memref<1280x128xi32, #tpu.memory_space<hbm>>, %arg5: memref<1280x128xi32, #tpu.memory_space<hbm>>, %arg6: memref<632x128xf32, #tpu.memory_space<hbm>>, %arg7: memref<10112x128xf32, #tpu.memory_space<hbm>>, %arg8: memref<10112x128xf32, #tpu.memory_space<hbm>>, %arg9: memref<40x128xi32, #tpu.memory_space<vmem>>, %arg10: memref<40x128xi32, #tpu.memory_space<vmem>>, %arg11: memref<128x128xf32, #tpu.memory_space<vmem>>, %arg12: memref<128x128xf32, #tpu.memory_space<vmem>>, %arg13: memref<10112x128xf32, #tpu.memory_space<vmem_shared>>, %arg14: memref<!tpu.dma_semaphore, #tpu.memory_space<semaphore_mem>>, %arg15: memref<!tpu.dma_semaphore, #tpu.memory_space<semaphore_mem>>) attributes {dimension_semantics = [#tpu.dimension_semantics<core_parallel>, #tpu.dimension_semantics<subcore_parallel>], iteration_bounds = array<i64: 2, 16>, scalar_prefetch = 0 : i64, scratch_operands = 7 : i64, tpu.core_type = #tpu.core_type<sc_vector_subcore>, window_params = [{transform_indices = #map}, {transform_indices = #map}, {transform_indices = #map}, {transform_indices = #map}, {transform_indices = #map}, {transform_indices = #map}, {transform_indices = #map}]} {
    %mul3A = arith.constant 632 : i32
    %mul3A_0 = arith.muli %arg1, %mul3A : i32
    "tpu.region"() ({
      %run_scoped3A = tpu.sem_alloc : memref<!tpu.dma_semaphore, #tpu.memory_space<semaphore_mem>>
      %dma_start3A = arith.constant 0 : i32
      %dma_start3A_19 = tpu.memref_slice %arg13[%mul3A_0, %dma_start3A] : memref<10112x128xf32, #tpu.memory_space<vmem_shared>> -> memref<632x128xf32, #tpu.memory_space<vmem_shared>>
      tpu.enqueue_dma source(%arg6 : memref<632x128xf32, #tpu.memory_space<hbm>>) target(%dma_start3A_19 : memref<632x128xf32, #tpu.memory_space<vmem_shared>>) target_semaphore(%run_scoped3A : memref<!tpu.dma_semaphore, #tpu.memory_space<semaphore_mem>>)
      %dma_wait3A = arith.constant 0 : i32
      %dma_wait3A_20 = tpu.memref_slice %arg13[%mul3A_0, %dma_wait3A] : memref<10112x128xf32, #tpu.memory_space<vmem_shared>> -> memref<632x128xf32, #tpu.memory_space<vmem_shared>>
      tpu.wait_dma2 semaphore(%run_scoped3A : memref<!tpu.dma_semaphore, #tpu.memory_space<semaphore_mem>>) src(%arg6 : memref<632x128xf32, #tpu.memory_space<hbm>>) dst(%dma_wait3A_20 : memref<632x128xf32, #tpu.memory_space<vmem_shared>>)
      tpu.yield
    }) : () -> ()
    %barrier3A = arith.constant 0 : index
    tpu.barrier barrier_id(%barrier3A)
    %eq3A = arith.constant 0 : i32
    %eq3A_1 = arith.cmpi eq, %arg0, %eq3A : i32
    %convert_element_type3A = arith.extui %eq3A_1 : i1 to i32
    %cond3A = arith.constant 0 : i32
    %cond3A_2 = arith.cmpi ne, %convert_element_type3A, %cond3A : i32
    scf.if %cond3A_2 {
      %mul3A_19 = arith.constant 80 : i32
      %mul3A_20 = arith.muli %arg1, %mul3A_19 : i32
      %add3A = arith.constant 0 : i32
      %add3A_21 = arith.addi %mul3A_20, %add3A : i32
      "tpu.region"() ({
        %run_scoped3A = tpu.sem_alloc : memref<!tpu.dma_semaphore, #tpu.memory_space<semaphore_mem>>
        %dma_start3A_48 = arith.constant 0 : i32
        %dma_start3A_49 = tpu.memref_slice %arg4[%add3A_21, %dma_start3A_48] : memref<1280x128xi32, #tpu.memory_space<hbm>> -> memref<40x128xi32, #tpu.memory_space<hbm>>
        %dma_start3A_50 = arith.constant 0 : i32
        %dma_start3A_51 = tpu.memref_slice %arg4[%add3A_21, %dma_start3A_50] : memref<1280x128xi32, #tpu.memory_space<hbm>> -> memref<40x128xi32, #tpu.memory_space<hbm>>
        tpu.enqueue_dma source(%dma_start3A_51 : memref<40x128xi32, #tpu.memory_space<hbm>>) target(%arg9 : memref<40x128xi32, #tpu.memory_space<vmem>>) target_semaphore(%run_scoped3A : memref<!tpu.dma_semaphore, #tpu.memory_space<semaphore_mem>>)
        %dma_wait3A = arith.constant 0 : i32
        %dma_wait3A_52 = tpu.memref_slice %arg4[%add3A_21, %dma_wait3A] : memref<1280x128xi32, #tpu.memory_space<hbm>> -> memref<40x128xi32, #tpu.memory_space<hbm>>
        %dma_wait3A_53 = arith.constant 0 : i32
        %dma_wait3A_54 = tpu.memref_slice %arg4[%add3A_21, %dma_wait3A_53] : memref<1280x128xi32, #tpu.memory_space<hbm>> -> memref<40x128xi32, #tpu.memory_space<hbm>>
        tpu.wait_dma2 semaphore(%run_scoped3A : memref<!tpu.dma_semaphore, #tpu.memory_space<semaphore_mem>>) src(%dma_wait3A_54 : memref<40x128xi32, #tpu.memory_space<hbm>>) dst(%arg9 : memref<40x128xi32, #tpu.memory_space<vmem>>)
        tpu.yield
      }) : () -> ()
      "tpu.region"() ({
        %run_scoped3A = tpu.sem_alloc : memref<!tpu.dma_semaphore, #tpu.memory_space<semaphore_mem>>
        %dma_start3A_48 = arith.constant 0 : i32
        %dma_start3A_49 = tpu.memref_slice %arg5[%add3A_21, %dma_start3A_48] : memref<1280x128xi32, #tpu.memory_space<hbm>> -> memref<40x128xi32, #tpu.memory_space<hbm>>
        %dma_start3A_50 = arith.constant 0 : i32
        %dma_start3A_51 = tpu.memref_slice %arg5[%add3A_21, %dma_start3A_50] : memref<1280x128xi32, #tpu.memory_space<hbm>> -> memref<40x128xi32, #tpu.memory_space<hbm>>
        tpu.enqueue_dma source(%dma_start3A_51 : memref<40x128xi32, #tpu.memory_space<hbm>>) target(%arg10 : memref<40x128xi32, #tpu.memory_space<vmem>>) target_semaphore(%run_scoped3A : memref<!tpu.dma_semaphore, #tpu.memory_space<semaphore_mem>>)
        %dma_wait3A = arith.constant 0 : i32
        %dma_wait3A_52 = tpu.memref_slice %arg5[%add3A_21, %dma_wait3A] : memref<1280x128xi32, #tpu.memory_space<hbm>> -> memref<40x128xi32, #tpu.memory_space<hbm>>
        %dma_wait3A_53 = arith.constant 0 : i32
        %dma_wait3A_54 = tpu.memref_slice %arg5[%add3A_21, %dma_wait3A_53] : memref<1280x128xi32, #tpu.memory_space<hbm>> -> memref<40x128xi32, #tpu.memory_space<hbm>>
        tpu.wait_dma2 semaphore(%run_scoped3A : memref<!tpu.dma_semaphore, #tpu.memory_space<semaphore_mem>>) src(%dma_wait3A_54 : memref<40x128xi32, #tpu.memory_space<hbm>>) dst(%arg10 : memref<40x128xi32, #tpu.memory_space<vmem>>)
        tpu.yield
      }) : () -> ()
      %dma_start3A = arith.constant 0 : i32
      %dma_start3A_22 = arith.constant 0 : i32
      %dma_start3A_23 = tpu.memref_slice %arg9[%dma_start3A, %dma_start3A_22] : memref<40x128xi32, #tpu.memory_space<vmem>> -> memref<1x128xi32, #tpu.memory_space<vmem>>
      %dma_start3A_24 = tpu.memref_squeeze %dma_start3A_23 : memref<1x128xi32, #tpu.memory_space<vmem>> -> memref<128xi32, #tpu.memory_space<vmem>>
      %dma_start3A_25 = arith.constant 0 : i32
      %dma_start3A_26 = arith.constant 0 : i32
      %dma_start3A_27 = tpu.memref_slice %arg2[%dma_start3A_25, %dma_start3A_26] : memref<10112x128xf32, #tpu.memory_space<hbm>> -> memref<10112x128xf32, #tpu.memory_space<hbm>>
      tpu.enqueue_indirect_dma source(%dma_start3A_27 : memref<10112x128xf32, #tpu.memory_space<hbm>>) target(%arg11 : memref<128x128xf32, #tpu.memory_space<vmem>>) offsets(%dma_start3A_24 : memref<128xi32, #tpu.memory_space<vmem>>) semaphore(%arg14 : memref<!tpu.dma_semaphore, #tpu.memory_space<semaphore_mem>>)
      %scan3A = arith.constant 0 : i32
      %scan3A_28 = arith.constant 20 : i32
      %scan3A_29 = arith.addi %scan3A, %scan3A_28 : i32
      %scan3A_30 = arith.constant 1 : i32
      scf.for %scan3A_48 = %scan3A to %scan3A_29 step %scan3A_30  : i32 {
        %mul3A_49 = arith.constant 2 : i32
        %mul3A_50 = arith.muli %scan3A_48, %mul3A_49 : i32
        %add3A_51 = arith.constant 0 : i32
        %add3A_52 = arith.addi %add3A_51, %mul3A_50 : i32
        %add3A_53 = arith.constant 1 : i32
        %add3A_54 = arith.addi %add3A_52, %add3A_53 : i32
        %dma_start3A_55 = arith.constant 0 : i32
        %dma_start3A_56 = tpu.memref_slice %arg9[%add3A_54, %dma_start3A_55] : memref<40x128xi32, #tpu.memory_space<vmem>> -> memref<1x128xi32, #tpu.memory_space<vmem>>
        %dma_start3A_57 = tpu.memref_squeeze %dma_start3A_56 : memref<1x128xi32, #tpu.memory_space<vmem>> -> memref<128xi32, #tpu.memory_space<vmem>>
        %dma_start3A_58 = arith.constant 0 : i32
        %dma_start3A_59 = arith.constant 0 : i32
        %dma_start3A_60 = tpu.memref_slice %arg2[%dma_start3A_58, %dma_start3A_59] : memref<10112x128xf32, #tpu.memory_space<hbm>> -> memref<10112x128xf32, #tpu.memory_space<hbm>>
        tpu.enqueue_indirect_dma source(%dma_start3A_60 : memref<10112x128xf32, #tpu.memory_space<hbm>>) target(%arg12 : memref<128x128xf32, #tpu.memory_space<vmem>>) offsets(%dma_start3A_57 : memref<128xi32, #tpu.memory_space<vmem>>) semaphore(%arg15 : memref<!tpu.dma_semaphore, #tpu.memory_space<semaphore_mem>>)
        %dma_wait3A = arith.constant 0 : i32
        %dma_wait3A_61 = tpu.memref_slice %arg9[%add3A_52, %dma_wait3A] : memref<40x128xi32, #tpu.memory_space<vmem>> -> memref<1x128xi32, #tpu.memory_space<vmem>>
        %dma_wait3A_62 = tpu.memref_squeeze %dma_wait3A_61 : memref<1x128xi32, #tpu.memory_space<vmem>> -> memref<128xi32, #tpu.memory_space<vmem>>
        %dma_wait3A_63 = arith.constant 0 : i32
        %dma_wait3A_64 = arith.constant 0 : i32
        %dma_wait3A_65 = tpu.memref_slice %arg2[%dma_wait3A_63, %dma_wait3A_64] : memref<10112x128xf32, #tpu.memory_space<hbm>> -> memref<10112x128xf32, #tpu.memory_space<hbm>>
        tpu.wait_indirect_dma semaphore(%arg14 : memref<!tpu.dma_semaphore, #tpu.memory_space<semaphore_mem>>) src(%dma_wait3A_65 : memref<10112x128xf32, #tpu.memory_space<hbm>>) dst(%arg11 : memref<128x128xf32, #tpu.memory_space<vmem>>)
        "tpu.region"() ({
          %run_scoped3A = tpu.sem_alloc : memref<!tpu.dma_semaphore, #tpu.memory_space<semaphore_mem>>
          %dma_start3A_82 = arith.constant 0 : i32
          %dma_start3A_83 = tpu.memref_slice %arg10[%add3A_52, %dma_start3A_82] : memref<40x128xi32, #tpu.memory_space<vmem>> -> memref<1x128xi32, #tpu.memory_space<vmem>>
          %dma_start3A_84 = tpu.memref_squeeze %dma_start3A_83 : memref<1x128xi32, #tpu.memory_space<vmem>> -> memref<128xi32, #tpu.memory_space<vmem>>
          %dma_start3A_85 = arith.constant 0 : i32
          %dma_start3A_86 = arith.constant 0 : i32
          %dma_start3A_87 = tpu.memref_slice %arg13[%dma_start3A_85, %dma_start3A_86] : memref<10112x128xf32, #tpu.memory_space<vmem_shared>> -> memref<10112x128xf32, #tpu.memory_space<vmem_shared>>
          tpu.enqueue_indirect_dma source(%arg11 : memref<128x128xf32, #tpu.memory_space<vmem>>) target(%dma_start3A_87 : memref<10112x128xf32, #tpu.memory_space<vmem_shared>>) offsets(%dma_start3A_84 : memref<128xi32, #tpu.memory_space<vmem>>) semaphore(%run_scoped3A : memref<!tpu.dma_semaphore, #tpu.memory_space<semaphore_mem>>) {add = true}
          %dma_wait3A_88 = arith.constant 0 : i32
          %dma_wait3A_89 = tpu.memref_slice %arg10[%add3A_52, %dma_wait3A_88] : memref<40x128xi32, #tpu.memory_space<vmem>> -> memref<1x128xi32, #tpu.memory_space<vmem>>
          %dma_wait3A_90 = tpu.memref_squeeze %dma_wait3A_89 : memref<1x128xi32, #tpu.memory_space<vmem>> -> memref<128xi32, #tpu.memory_space<vmem>>
          %dma_wait3A_91 = arith.constant 0 : i32
          %dma_wait3A_92 = arith.constant 0 : i32
          %dma_wait3A_93 = tpu.memref_slice %arg13[%dma_wait3A_91, %dma_wait3A_92] : memref<10112x128xf32, #tpu.memory_space<vmem_shared>> -> memref<10112x128xf32, #tpu.memory_space<vmem_shared>>
          tpu.wait_indirect_dma semaphore(%run_scoped3A : memref<!tpu.dma_semaphore, #tpu.memory_space<semaphore_mem>>) src(%arg11 : memref<128x128xf32, #tpu.memory_space<vmem>>) dst(%dma_wait3A_93 : memref<10112x128xf32, #tpu.memory_space<vmem_shared>>)
          tpu.yield
        }) : () -> ()
        %add3A_66 = arith.constant 2 : i32
        %add3A_67 = arith.addi %add3A_52, %add3A_66 : i32
        %lt3A = arith.constant 40 : i32
        %lt3A_68 = arith.cmpi slt, %add3A_67, %lt3A : i32
        %convert_element_type3A_69 = arith.extui %lt3A_68 : i1 to i32
        %cond3A_70 = arith.constant 0 : i32
        %cond3A_71 = arith.cmpi ne, %convert_element_type3A_69, %cond3A_70 : i32
        scf.if %cond3A_71 {
          %add3A_82 = arith.constant 2 : i32
          %add3A_83 = arith.addi %add3A_52, %add3A_82 : i32
          %dma_start3A_84 = arith.constant 0 : i32
          %dma_start3A_85 = tpu.memref_slice %arg9[%add3A_83, %dma_start3A_84] : memref<40x128xi32, #tpu.memory_space<vmem>> -> memref<1x128xi32, #tpu.memory_space<vmem>>
          %dma_start3A_86 = tpu.memref_squeeze %dma_start3A_85 : memref<1x128xi32, #tpu.memory_space<vmem>> -> memref<128xi32, #tpu.memory_space<vmem>>
          %dma_start3A_87 = arith.constant 0 : i32
          %dma_start3A_88 = arith.constant 0 : i32
          %dma_start3A_89 = tpu.memref_slice %arg2[%dma_start3A_87, %dma_start3A_88] : memref<10112x128xf32, #tpu.memory_space<hbm>> -> memref<10112x128xf32, #tpu.memory_space<hbm>>
          tpu.enqueue_indirect_dma source(%dma_start3A_89 : memref<10112x128xf32, #tpu.memory_space<hbm>>) target(%arg11 : memref<128x128xf32, #tpu.memory_space<vmem>>) offsets(%dma_start3A_86 : memref<128xi32, #tpu.memory_space<vmem>>) semaphore(%arg14 : memref<!tpu.dma_semaphore, #tpu.memory_space<semaphore_mem>>)
        } else {
        }
        %add3A_72 = arith.constant 1 : i32
        %add3A_73 = arith.addi %add3A_52, %add3A_72 : i32
        %dma_wait3A_74 = arith.constant 0 : i32
        %dma_wait3A_75 = tpu.memref_slice %arg9[%add3A_73, %dma_wait3A_74] : memref<40x128xi32, #tpu.memory_space<vmem>> -> memref<1x128xi32, #tpu.memory_space<vmem>>
        %dma_wait3A_76 = tpu.memref_squeeze %dma_wait3A_75 : memref<1x128xi32, #tpu.memory_space<vmem>> -> memref<128xi32, #tpu.memory_space<vmem>>
        %dma_wait3A_77 = arith.constant 0 : i32
        %dma_wait3A_78 = arith.constant 0 : i32
        %dma_wait3A_79 = tpu.memref_slice %arg2[%dma_wait3A_77, %dma_wait3A_78] : memref<10112x128xf32, #tpu.memory_space<hbm>> -> memref<10112x128xf32, #tpu.memory_space<hbm>>
        tpu.wait_indirect_dma semaphore(%arg15 : memref<!tpu.dma_semaphore, #tpu.memory_space<semaphore_mem>>) src(%dma_wait3A_79 : memref<10112x128xf32, #tpu.memory_space<hbm>>) dst(%arg12 : memref<128x128xf32, #tpu.memory_space<vmem>>)
        %add3A_80 = arith.constant 1 : i32
        %add3A_81 = arith.addi %add3A_52, %add3A_80 : i32
        "tpu.region"() ({
          %run_scoped3A = tpu.sem_alloc : memref<!tpu.dma_semaphore, #tpu.memory_space<semaphore_mem>>
          %dma_start3A_82 = arith.constant 0 : i32
          %dma_start3A_83 = tpu.memref_slice %arg10[%add3A_81, %dma_start3A_82] : memref<40x128xi32, #tpu.memory_space<vmem>> -> memref<1x128xi32, #tpu.memory_space<vmem>>
          %dma_start3A_84 = tpu.memref_squeeze %dma_start3A_83 : memref<1x128xi32, #tpu.memory_space<vmem>> -> memref<128xi32, #tpu.memory_space<vmem>>
          %dma_start3A_85 = arith.constant 0 : i32
          %dma_start3A_86 = arith.constant 0 : i32
          %dma_start3A_87 = tpu.memref_slice %arg13[%dma_start3A_85, %dma_start3A_86] : memref<10112x128xf32, #tpu.memory_space<vmem_shared>> -> memref<10112x128xf32, #tpu.memory_space<vmem_shared>>
          tpu.enqueue_indirect_dma source(%arg12 : memref<128x128xf32, #tpu.memory_space<vmem>>) target(%dma_start3A_87 : memref<10112x128xf32, #tpu.memory_space<vmem_shared>>) offsets(%dma_start3A_84 : memref<128xi32, #tpu.memory_space<vmem>>) semaphore(%run_scoped3A : memref<!tpu.dma_semaphore, #tpu.memory_space<semaphore_mem>>) {add = true}
          %dma_wait3A_88 = arith.constant 0 : i32
          %dma_wait3A_89 = tpu.memref_slice %arg10[%add3A_81, %dma_wait3A_88] : memref<40x128xi32, #tpu.memory_space<vmem>> -> memref<1x128xi32, #tpu.memory_space<vmem>>
          %dma_wait3A_90 = tpu.memref_squeeze %dma_wait3A_89 : memref<1x128xi32, #tpu.memory_space<vmem>> -> memref<128xi32, #tpu.memory_space<vmem>>
          %dma_wait3A_91 = arith.constant 0 : i32
          %dma_wait3A_92 = arith.constant 0 : i32
          %dma_wait3A_93 = tpu.memref_slice %arg13[%dma_wait3A_91, %dma_wait3A_92] : memref<10112x128xf32, #tpu.memory_space<vmem_shared>> -> memref<10112x128xf32, #tpu.memory_space<vmem_shared>>
          tpu.wait_indirect_dma semaphore(%run_scoped3A : memref<!tpu.dma_semaphore, #tpu.memory_space<semaphore_mem>>) src(%arg12 : memref<128x128xf32, #tpu.memory_space<vmem>>) dst(%dma_wait3A_93 : memref<10112x128xf32, #tpu.memory_space<vmem_shared>>)
          tpu.yield
        }) : () -> ()
      }
      %scan3A_31 = arith.constant 20 : i32
      %mul3A_32 = arith.constant 80 : i32
      %mul3A_33 = arith.muli %arg1, %mul3A_32 : i32
      %add3A_34 = arith.constant 40 : i32
      %add3A_35 = arith.addi %mul3A_33, %add3A_34 : i32
      "tpu.region"() ({
        %run_scoped3A = tpu.sem_alloc : memref<!tpu.dma_semaphore, #tpu.memory_space<semaphore_mem>>
        %dma_start3A_48 = arith.constant 0 : i32
        %dma_start3A_49 = tpu.memref_slice %arg4[%add3A_35, %dma_start3A_48] : memref<1280x128xi32, #tpu.memory_space<hbm>> -> memref<40x128xi32, #tpu.memory_space<hbm>>
        %dma_start3A_50 = arith.constant 0 : i32
        %dma_start3A_51 = tpu.memref_slice %arg4[%add3A_35, %dma_start3A_50] : memref<1280x128xi32, #tpu.memory_space<hbm>> -> memref<40x128xi32, #tpu.memory_space<hbm>>
        tpu.enqueue_dma source(%dma_start3A_51 : memref<40x128xi32, #tpu.memory_space<hbm>>) target(%arg9 : memref<40x128xi32, #tpu.memory_space<vmem>>) target_semaphore(%run_scoped3A : memref<!tpu.dma_semaphore, #tpu.memory_space<semaphore_mem>>)
        %dma_wait3A = arith.constant 0 : i32
        %dma_wait3A_52 = tpu.memref_slice %arg4[%add3A_35, %dma_wait3A] : memref<1280x128xi32, #tpu.memory_space<hbm>> -> memref<40x128xi32, #tpu.memory_space<hbm>>
        %dma_wait3A_53 = arith.constant 0 : i32
        %dma_wait3A_54 = tpu.memref_slice %arg4[%add3A_35, %dma_wait3A_53] : memref<1280x128xi32, #tpu.memory_space<hbm>> -> memref<40x128xi32, #tpu.memory_space<hbm>>
        tpu.wait_dma2 semaphore(%run_scoped3A : memref<!tpu.dma_semaphore, #tpu.memory_space<semaphore_mem>>) src(%dma_wait3A_54 : memref<40x128xi32, #tpu.memory_space<hbm>>) dst(%arg9 : memref<40x128xi32, #tpu.memory_space<vmem>>)
        tpu.yield
      }) : () -> ()
      "tpu.region"() ({
        %run_scoped3A = tpu.sem_alloc : memref<!tpu.dma_semaphore, #tpu.memory_space<semaphore_mem>>
        %dma_start3A_48 = arith.constant 0 : i32
        %dma_start3A_49 = tpu.memref_slice %arg5[%add3A_35, %dma_start3A_48] : memref<1280x128xi32, #tpu.memory_space<hbm>> -> memref<40x128xi32, #tpu.memory_space<hbm>>
        %dma_start3A_50 = arith.constant 0 : i32
        %dma_start3A_51 = tpu.memref_slice %arg5[%add3A_35, %dma_start3A_50] : memref<1280x128xi32, #tpu.memory_space<hbm>> -> memref<40x128xi32, #tpu.memory_space<hbm>>
        tpu.enqueue_dma source(%dma_start3A_51 : memref<40x128xi32, #tpu.memory_space<hbm>>) target(%arg10 : memref<40x128xi32, #tpu.memory_space<vmem>>) target_semaphore(%run_scoped3A : memref<!tpu.dma_semaphore, #tpu.memory_space<semaphore_mem>>)
        %dma_wait3A = arith.constant 0 : i32
        %dma_wait3A_52 = tpu.memref_slice %arg5[%add3A_35, %dma_wait3A] : memref<1280x128xi32, #tpu.memory_space<hbm>> -> memref<40x128xi32, #tpu.memory_space<hbm>>
        %dma_wait3A_53 = arith.constant 0 : i32
        %dma_wait3A_54 = tpu.memref_slice %arg5[%add3A_35, %dma_wait3A_53] : memref<1280x128xi32, #tpu.memory_space<hbm>> -> memref<40x128xi32, #tpu.memory_space<hbm>>
        tpu.wait_dma2 semaphore(%run_scoped3A : memref<!tpu.dma_semaphore, #tpu.memory_space<semaphore_mem>>) src(%dma_wait3A_54 : memref<40x128xi32, #tpu.memory_space<hbm>>) dst(%arg10 : memref<40x128xi32, #tpu.memory_space<vmem>>)
        tpu.yield
      }) : () -> ()
      %dma_start3A_36 = arith.constant 0 : i32
      %dma_start3A_37 = arith.constant 0 : i32
      %dma_start3A_38 = tpu.memref_slice %arg9[%dma_start3A_36, %dma_start3A_37] : memref<40x128xi32, #tpu.memory_space<vmem>> -> memref<1x128xi32, #tpu.memory_space<vmem>>
      %dma_start3A_39 = tpu.memref_squeeze %dma_start3A_38 : memref<1x128xi32, #tpu.memory_space<vmem>> -> memref<128xi32, #tpu.memory_space<vmem>>
      %dma_start3A_40 = arith.constant 0 : i32
      %dma_start3A_41 = arith.constant 0 : i32
      %dma_start3A_42 = tpu.memref_slice %arg2[%dma_start3A_40, %dma_start3A_41] : memref<10112x128xf32, #tpu.memory_space<hbm>> -> memref<10112x128xf32, #tpu.memory_space<hbm>>
      tpu.enqueue_indirect_dma source(%dma_start3A_42 : memref<10112x128xf32, #tpu.memory_space<hbm>>) target(%arg11 : memref<128x128xf32, #tpu.memory_space<vmem>>) offsets(%dma_start3A_39 : memref<128xi32, #tpu.memory_space<vmem>>) semaphore(%arg14 : memref<!tpu.dma_semaphore, #tpu.memory_space<semaphore_mem>>)
      %scan3A_43 = arith.constant 0 : i32
      %scan3A_44 = arith.constant 20 : i32
      %scan3A_45 = arith.addi %scan3A_43, %scan3A_44 : i32
      %scan3A_46 = arith.constant 1 : i32
      scf.for %scan3A_48 = %scan3A_43 to %scan3A_45 step %scan3A_46  : i32 {
        %mul3A_49 = arith.constant 2 : i32
        %mul3A_50 = arith.muli %scan3A_48, %mul3A_49 : i32
        %add3A_51 = arith.constant 0 : i32
        %add3A_52 = arith.addi %add3A_51, %mul3A_50 : i32
        %add3A_53 = arith.constant 1 : i32
        %add3A_54 = arith.addi %add3A_52, %add3A_53 : i32
        %dma_start3A_55 = arith.constant 0 : i32
        %dma_start3A_56 = tpu.memref_slice %arg9[%add3A_54, %dma_start3A_55] : memref<40x128xi32, #tpu.memory_space<vmem>> -> memref<1x128xi32, #tpu.memory_space<vmem>>
        %dma_start3A_57 = tpu.memref_squeeze %dma_start3A_56 : memref<1x128xi32, #tpu.memory_space<vmem>> -> memref<128xi32, #tpu.memory_space<vmem>>
        %dma_start3A_58 = arith.constant 0 : i32
        %dma_start3A_59 = arith.constant 0 : i32
        %dma_start3A_60 = tpu.memref_slice %arg2[%dma_start3A_58, %dma_start3A_59] : memref<10112x128xf32, #tpu.memory_space<hbm>> -> memref<10112x128xf32, #tpu.memory_space<hbm>>
        tpu.enqueue_indirect_dma source(%dma_start3A_60 : memref<10112x128xf32, #tpu.memory_space<hbm>>) target(%arg12 : memref<128x128xf32, #tpu.memory_space<vmem>>) offsets(%dma_start3A_57 : memref<128xi32, #tpu.memory_space<vmem>>) semaphore(%arg15 : memref<!tpu.dma_semaphore, #tpu.memory_space<semaphore_mem>>)
        %dma_wait3A = arith.constant 0 : i32
        %dma_wait3A_61 = tpu.memref_slice %arg9[%add3A_52, %dma_wait3A] : memref<40x128xi32, #tpu.memory_space<vmem>> -> memref<1x128xi32, #tpu.memory_space<vmem>>
        %dma_wait3A_62 = tpu.memref_squeeze %dma_wait3A_61 : memref<1x128xi32, #tpu.memory_space<vmem>> -> memref<128xi32, #tpu.memory_space<vmem>>
        %dma_wait3A_63 = arith.constant 0 : i32
        %dma_wait3A_64 = arith.constant 0 : i32
        %dma_wait3A_65 = tpu.memref_slice %arg2[%dma_wait3A_63, %dma_wait3A_64] : memref<10112x128xf32, #tpu.memory_space<hbm>> -> memref<10112x128xf32, #tpu.memory_space<hbm>>
        tpu.wait_indirect_dma semaphore(%arg14 : memref<!tpu.dma_semaphore, #tpu.memory_space<semaphore_mem>>) src(%dma_wait3A_65 : memref<10112x128xf32, #tpu.memory_space<hbm>>) dst(%arg11 : memref<128x128xf32, #tpu.memory_space<vmem>>)
        "tpu.region"() ({
          %run_scoped3A = tpu.sem_alloc : memref<!tpu.dma_semaphore, #tpu.memory_space<semaphore_mem>>
          %dma_start3A_82 = arith.constant 0 : i32
          %dma_start3A_83 = tpu.memref_slice %arg10[%add3A_52, %dma_start3A_82] : memref<40x128xi32, #tpu.memory_space<vmem>> -> memref<1x128xi32, #tpu.memory_space<vmem>>
          %dma_start3A_84 = tpu.memref_squeeze %dma_start3A_83 : memref<1x128xi32, #tpu.memory_space<vmem>> -> memref<128xi32, #tpu.memory_space<vmem>>
          %dma_start3A_85 = arith.constant 0 : i32
          %dma_start3A_86 = arith.constant 0 : i32
          %dma_start3A_87 = tpu.memref_slice %arg13[%dma_start3A_85, %dma_start3A_86] : memref<10112x128xf32, #tpu.memory_space<vmem_shared>> -> memref<10112x128xf32, #tpu.memory_space<vmem_shared>>
          tpu.enqueue_indirect_dma source(%arg11 : memref<128x128xf32, #tpu.memory_space<vmem>>) target(%dma_start3A_87 : memref<10112x128xf32, #tpu.memory_space<vmem_shared>>) offsets(%dma_start3A_84 : memref<128xi32, #tpu.memory_space<vmem>>) semaphore(%run_scoped3A : memref<!tpu.dma_semaphore, #tpu.memory_space<semaphore_mem>>) {add = true}
          %dma_wait3A_88 = arith.constant 0 : i32
          %dma_wait3A_89 = tpu.memref_slice %arg10[%add3A_52, %dma_wait3A_88] : memref<40x128xi32, #tpu.memory_space<vmem>> -> memref<1x128xi32, #tpu.memory_space<vmem>>
          %dma_wait3A_90 = tpu.memref_squeeze %dma_wait3A_89 : memref<1x128xi32, #tpu.memory_space<vmem>> -> memref<128xi32, #tpu.memory_space<vmem>>
          %dma_wait3A_91 = arith.constant 0 : i32
          %dma_wait3A_92 = arith.constant 0 : i32
          %dma_wait3A_93 = tpu.memref_slice %arg13[%dma_wait3A_91, %dma_wait3A_92] : memref<10112x128xf32, #tpu.memory_space<vmem_shared>> -> memref<10112x128xf32, #tpu.memory_space<vmem_shared>>
          tpu.wait_indirect_dma semaphore(%run_scoped3A : memref<!tpu.dma_semaphore, #tpu.memory_space<semaphore_mem>>) src(%arg11 : memref<128x128xf32, #tpu.memory_space<vmem>>) dst(%dma_wait3A_93 : memref<10112x128xf32, #tpu.memory_space<vmem_shared>>)
          tpu.yield
        }) : () -> ()
        %add3A_66 = arith.constant 2 : i32
        %add3A_67 = arith.addi %add3A_52, %add3A_66 : i32
        %lt3A = arith.constant 40 : i32
        %lt3A_68 = arith.cmpi slt, %add3A_67, %lt3A : i32
        %convert_element_type3A_69 = arith.extui %lt3A_68 : i1 to i32
        %cond3A_70 = arith.constant 0 : i32
        %cond3A_71 = arith.cmpi ne, %convert_element_type3A_69, %cond3A_70 : i32
        scf.if %cond3A_71 {
          %add3A_82 = arith.constant 2 : i32
          %add3A_83 = arith.addi %add3A_52, %add3A_82 : i32
          %dma_start3A_84 = arith.constant 0 : i32
          %dma_start3A_85 = tpu.memref_slice %arg9[%add3A_83, %dma_start3A_84] : memref<40x128xi32, #tpu.memory_space<vmem>> -> memref<1x128xi32, #tpu.memory_space<vmem>>
          %dma_start3A_86 = tpu.memref_squeeze %dma_start3A_85 : memref<1x128xi32, #tpu.memory_space<vmem>> -> memref<128xi32, #tpu.memory_space<vmem>>
          %dma_start3A_87 = arith.constant 0 : i32
          %dma_start3A_88 = arith.constant 0 : i32
          %dma_start3A_89 = tpu.memref_slice %arg2[%dma_start3A_87, %dma_start3A_88] : memref<10112x128xf32, #tpu.memory_space<hbm>> -> memref<10112x128xf32, #tpu.memory_space<hbm>>
          tpu.enqueue_indirect_dma source(%dma_start3A_89 : memref<10112x128xf32, #tpu.memory_space<hbm>>) target(%arg11 : memref<128x128xf32, #tpu.memory_space<vmem>>) offsets(%dma_start3A_86 : memref<128xi32, #tpu.memory_space<vmem>>) semaphore(%arg14 : memref<!tpu.dma_semaphore, #tpu.memory_space<semaphore_mem>>)
        } else {
        }
        %add3A_72 = arith.constant 1 : i32
        %add3A_73 = arith.addi %add3A_52, %add3A_72 : i32
        %dma_wait3A_74 = arith.constant 0 : i32
        %dma_wait3A_75 = tpu.memref_slice %arg9[%add3A_73, %dma_wait3A_74] : memref<40x128xi32, #tpu.memory_space<vmem>> -> memref<1x128xi32, #tpu.memory_space<vmem>>
        %dma_wait3A_76 = tpu.memref_squeeze %dma_wait3A_75 : memref<1x128xi32, #tpu.memory_space<vmem>> -> memref<128xi32, #tpu.memory_space<vmem>>
        %dma_wait3A_77 = arith.constant 0 : i32
        %dma_wait3A_78 = arith.constant 0 : i32
        %dma_wait3A_79 = tpu.memref_slice %arg2[%dma_wait3A_77, %dma_wait3A_78] : memref<10112x128xf32, #tpu.memory_space<hbm>> -> memref<10112x128xf32, #tpu.memory_space<hbm>>
        tpu.wait_indirect_dma semaphore(%arg15 : memref<!tpu.dma_semaphore, #tpu.memory_space<semaphore_mem>>) src(%dma_wait3A_79 : memref<10112x128xf32, #tpu.memory_space<hbm>>) dst(%arg12 : memref<128x128xf32, #tpu.memory_space<vmem>>)
        %add3A_80 = arith.constant 1 : i32
        %add3A_81 = arith.addi %add3A_52, %add3A_80 : i32
        "tpu.region"() ({
          %run_scoped3A = tpu.sem_alloc : memref<!tpu.dma_semaphore, #tpu.memory_space<semaphore_mem>>
          %dma_start3A_82 = arith.constant 0 : i32
          %dma_start3A_83 = tpu.memref_slice %arg10[%add3A_81, %dma_start3A_82] : memref<40x128xi32, #tpu.memory_space<vmem>> -> memref<1x128xi32, #tpu.memory_space<vmem>>
          %dma_start3A_84 = tpu.memref_squeeze %dma_start3A_83 : memref<1x128xi32, #tpu.memory_space<vmem>> -> memref<128xi32, #tpu.memory_space<vmem>>
          %dma_start3A_85 = arith.constant 0 : i32
          %dma_start3A_86 = arith.constant 0 : i32
          %dma_start3A_87 = tpu.memref_slice %arg13[%dma_start3A_85, %dma_start3A_86] : memref<10112x128xf32, #tpu.memory_space<vmem_shared>> -> memref<10112x128xf32, #tpu.memory_space<vmem_shared>>
          tpu.enqueue_indirect_dma source(%arg12 : memref<128x128xf32, #tpu.memory_space<vmem>>) target(%dma_start3A_87 : memref<10112x128xf32, #tpu.memory_space<vmem_shared>>) offsets(%dma_start3A_84 : memref<128xi32, #tpu.memory_space<vmem>>) semaphore(%run_scoped3A : memref<!tpu.dma_semaphore, #tpu.memory_space<semaphore_mem>>) {add = true}
          %dma_wait3A_88 = arith.constant 0 : i32
          %dma_wait3A_89 = tpu.memref_slice %arg10[%add3A_81, %dma_wait3A_88] : memref<40x128xi32, #tpu.memory_space<vmem>> -> memref<1x128xi32, #tpu.memory_space<vmem>>
          %dma_wait3A_90 = tpu.memref_squeeze %dma_wait3A_89 : memref<1x128xi32, #tpu.memory_space<vmem>> -> memref<128xi32, #tpu.memory_space<vmem>>
          %dma_wait3A_91 = arith.constant 0 : i32
          %dma_wait3A_92 = arith.constant 0 : i32
          %dma_wait3A_93 = tpu.memref_slice %arg13[%dma_wait3A_91, %dma_wait3A_92] : memref<10112x128xf32, #tpu.memory_space<vmem_shared>> -> memref<10112x128xf32, #tpu.memory_space<vmem_shared>>
          tpu.wait_indirect_dma semaphore(%run_scoped3A : memref<!tpu.dma_semaphore, #tpu.memory_space<semaphore_mem>>) src(%arg12 : memref<128x128xf32, #tpu.memory_space<vmem>>) dst(%dma_wait3A_93 : memref<10112x128xf32, #tpu.memory_space<vmem_shared>>)
          tpu.yield
        }) : () -> ()
      }
      %scan3A_47 = arith.constant 20 : i32
    } else {
    }
    %eq3A_3 = arith.constant 1 : i32
    %eq3A_4 = arith.cmpi eq, %arg0, %eq3A_3 : i32
    %convert_element_type3A_5 = arith.extui %eq3A_4 : i1 to i32
    %cond3A_6 = arith.constant 0 : i32
    %cond3A_7 = arith.cmpi ne, %convert_element_type3A_5, %cond3A_6 : i32
    scf.if %cond3A_7 {
      %mul3A_19 = arith.constant 80 : i32
      %mul3A_20 = arith.muli %arg1, %mul3A_19 : i32
      %add3A = arith.constant 0 : i32
      %add3A_21 = arith.addi %mul3A_20, %add3A : i32
      "tpu.region"() ({
        %run_scoped3A = tpu.sem_alloc : memref<!tpu.dma_semaphore, #tpu.memory_space<semaphore_mem>>
        %dma_start3A_48 = arith.constant 0 : i32
        %dma_start3A_49 = tpu.memref_slice %arg4[%add3A_21, %dma_start3A_48] : memref<1280x128xi32, #tpu.memory_space<hbm>> -> memref<40x128xi32, #tpu.memory_space<hbm>>
        %dma_start3A_50 = arith.constant 0 : i32
        %dma_start3A_51 = tpu.memref_slice %arg4[%add3A_21, %dma_start3A_50] : memref<1280x128xi32, #tpu.memory_space<hbm>> -> memref<40x128xi32, #tpu.memory_space<hbm>>
        tpu.enqueue_dma source(%dma_start3A_51 : memref<40x128xi32, #tpu.memory_space<hbm>>) target(%arg9 : memref<40x128xi32, #tpu.memory_space<vmem>>) target_semaphore(%run_scoped3A : memref<!tpu.dma_semaphore, #tpu.memory_space<semaphore_mem>>)
        %dma_wait3A = arith.constant 0 : i32
        %dma_wait3A_52 = tpu.memref_slice %arg4[%add3A_21, %dma_wait3A] : memref<1280x128xi32, #tpu.memory_space<hbm>> -> memref<40x128xi32, #tpu.memory_space<hbm>>
        %dma_wait3A_53 = arith.constant 0 : i32
        %dma_wait3A_54 = tpu.memref_slice %arg4[%add3A_21, %dma_wait3A_53] : memref<1280x128xi32, #tpu.memory_space<hbm>> -> memref<40x128xi32, #tpu.memory_space<hbm>>
        tpu.wait_dma2 semaphore(%run_scoped3A : memref<!tpu.dma_semaphore, #tpu.memory_space<semaphore_mem>>) src(%dma_wait3A_54 : memref<40x128xi32, #tpu.memory_space<hbm>>) dst(%arg9 : memref<40x128xi32, #tpu.memory_space<vmem>>)
        tpu.yield
      }) : () -> ()
      "tpu.region"() ({
        %run_scoped3A = tpu.sem_alloc : memref<!tpu.dma_semaphore, #tpu.memory_space<semaphore_mem>>
        %dma_start3A_48 = arith.constant 0 : i32
        %dma_start3A_49 = tpu.memref_slice %arg5[%add3A_21, %dma_start3A_48] : memref<1280x128xi32, #tpu.memory_space<hbm>> -> memref<40x128xi32, #tpu.memory_space<hbm>>
        %dma_start3A_50 = arith.constant 0 : i32
        %dma_start3A_51 = tpu.memref_slice %arg5[%add3A_21, %dma_start3A_50] : memref<1280x128xi32, #tpu.memory_space<hbm>> -> memref<40x128xi32, #tpu.memory_space<hbm>>
        tpu.enqueue_dma source(%dma_start3A_51 : memref<40x128xi32, #tpu.memory_space<hbm>>) target(%arg10 : memref<40x128xi32, #tpu.memory_space<vmem>>) target_semaphore(%run_scoped3A : memref<!tpu.dma_semaphore, #tpu.memory_space<semaphore_mem>>)
        %dma_wait3A = arith.constant 0 : i32
        %dma_wait3A_52 = tpu.memref_slice %arg5[%add3A_21, %dma_wait3A] : memref<1280x128xi32, #tpu.memory_space<hbm>> -> memref<40x128xi32, #tpu.memory_space<hbm>>
        %dma_wait3A_53 = arith.constant 0 : i32
        %dma_wait3A_54 = tpu.memref_slice %arg5[%add3A_21, %dma_wait3A_53] : memref<1280x128xi32, #tpu.memory_space<hbm>> -> memref<40x128xi32, #tpu.memory_space<hbm>>
        tpu.wait_dma2 semaphore(%run_scoped3A : memref<!tpu.dma_semaphore, #tpu.memory_space<semaphore_mem>>) src(%dma_wait3A_54 : memref<40x128xi32, #tpu.memory_space<hbm>>) dst(%arg10 : memref<40x128xi32, #tpu.memory_space<vmem>>)
        tpu.yield
      }) : () -> ()
      %dma_start3A = arith.constant 0 : i32
      %dma_start3A_22 = arith.constant 0 : i32
      %dma_start3A_23 = tpu.memref_slice %arg9[%dma_start3A, %dma_start3A_22] : memref<40x128xi32, #tpu.memory_space<vmem>> -> memref<1x128xi32, #tpu.memory_space<vmem>>
      %dma_start3A_24 = tpu.memref_squeeze %dma_start3A_23 : memref<1x128xi32, #tpu.memory_space<vmem>> -> memref<128xi32, #tpu.memory_space<vmem>>
      %dma_start3A_25 = arith.constant 0 : i32
      %dma_start3A_26 = arith.constant 0 : i32
      %dma_start3A_27 = tpu.memref_slice %arg3[%dma_start3A_25, %dma_start3A_26] : memref<10112x128xf32, #tpu.memory_space<hbm>> -> memref<10112x128xf32, #tpu.memory_space<hbm>>
      tpu.enqueue_indirect_dma source(%dma_start3A_27 : memref<10112x128xf32, #tpu.memory_space<hbm>>) target(%arg11 : memref<128x128xf32, #tpu.memory_space<vmem>>) offsets(%dma_start3A_24 : memref<128xi32, #tpu.memory_space<vmem>>) semaphore(%arg14 : memref<!tpu.dma_semaphore, #tpu.memory_space<semaphore_mem>>)
      %scan3A = arith.constant 0 : i32
      %scan3A_28 = arith.constant 20 : i32
      %scan3A_29 = arith.addi %scan3A, %scan3A_28 : i32
      %scan3A_30 = arith.constant 1 : i32
      scf.for %scan3A_48 = %scan3A to %scan3A_29 step %scan3A_30  : i32 {
        %mul3A_49 = arith.constant 2 : i32
        %mul3A_50 = arith.muli %scan3A_48, %mul3A_49 : i32
        %add3A_51 = arith.constant 0 : i32
        %add3A_52 = arith.addi %add3A_51, %mul3A_50 : i32
        %add3A_53 = arith.constant 1 : i32
        %add3A_54 = arith.addi %add3A_52, %add3A_53 : i32
        %dma_start3A_55 = arith.constant 0 : i32
        %dma_start3A_56 = tpu.memref_slice %arg9[%add3A_54, %dma_start3A_55] : memref<40x128xi32, #tpu.memory_space<vmem>> -> memref<1x128xi32, #tpu.memory_space<vmem>>
        %dma_start3A_57 = tpu.memref_squeeze %dma_start3A_56 : memref<1x128xi32, #tpu.memory_space<vmem>> -> memref<128xi32, #tpu.memory_space<vmem>>
        %dma_start3A_58 = arith.constant 0 : i32
        %dma_start3A_59 = arith.constant 0 : i32
        %dma_start3A_60 = tpu.memref_slice %arg3[%dma_start3A_58, %dma_start3A_59] : memref<10112x128xf32, #tpu.memory_space<hbm>> -> memref<10112x128xf32, #tpu.memory_space<hbm>>
        tpu.enqueue_indirect_dma source(%dma_start3A_60 : memref<10112x128xf32, #tpu.memory_space<hbm>>) target(%arg12 : memref<128x128xf32, #tpu.memory_space<vmem>>) offsets(%dma_start3A_57 : memref<128xi32, #tpu.memory_space<vmem>>) semaphore(%arg15 : memref<!tpu.dma_semaphore, #tpu.memory_space<semaphore_mem>>)
        %dma_wait3A = arith.constant 0 : i32
        %dma_wait3A_61 = tpu.memref_slice %arg9[%add3A_52, %dma_wait3A] : memref<40x128xi32, #tpu.memory_space<vmem>> -> memref<1x128xi32, #tpu.memory_space<vmem>>
        %dma_wait3A_62 = tpu.memref_squeeze %dma_wait3A_61 : memref<1x128xi32, #tpu.memory_space<vmem>> -> memref<128xi32, #tpu.memory_space<vmem>>
        %dma_wait3A_63 = arith.constant 0 : i32
        %dma_wait3A_64 = arith.constant 0 : i32
        %dma_wait3A_65 = tpu.memref_slice %arg3[%dma_wait3A_63, %dma_wait3A_64] : memref<10112x128xf32, #tpu.memory_space<hbm>> -> memref<10112x128xf32, #tpu.memory_space<hbm>>
        tpu.wait_indirect_dma semaphore(%arg14 : memref<!tpu.dma_semaphore, #tpu.memory_space<semaphore_mem>>) src(%dma_wait3A_65 : memref<10112x128xf32, #tpu.memory_space<hbm>>) dst(%arg11 : memref<128x128xf32, #tpu.memory_space<vmem>>)
        "tpu.region"() ({
          %run_scoped3A = tpu.sem_alloc : memref<!tpu.dma_semaphore, #tpu.memory_space<semaphore_mem>>
          %dma_start3A_82 = arith.constant 0 : i32
          %dma_start3A_83 = tpu.memref_slice %arg10[%add3A_52, %dma_start3A_82] : memref<40x128xi32, #tpu.memory_space<vmem>> -> memref<1x128xi32, #tpu.memory_space<vmem>>
          %dma_start3A_84 = tpu.memref_squeeze %dma_start3A_83 : memref<1x128xi32, #tpu.memory_space<vmem>> -> memref<128xi32, #tpu.memory_space<vmem>>
          %dma_start3A_85 = arith.constant 0 : i32
          %dma_start3A_86 = arith.constant 0 : i32
          %dma_start3A_87 = tpu.memref_slice %arg13[%dma_start3A_85, %dma_start3A_86] : memref<10112x128xf32, #tpu.memory_space<vmem_shared>> -> memref<10112x128xf32, #tpu.memory_space<vmem_shared>>
          tpu.enqueue_indirect_dma source(%arg11 : memref<128x128xf32, #tpu.memory_space<vmem>>) target(%dma_start3A_87 : memref<10112x128xf32, #tpu.memory_space<vmem_shared>>) offsets(%dma_start3A_84 : memref<128xi32, #tpu.memory_space<vmem>>) semaphore(%run_scoped3A : memref<!tpu.dma_semaphore, #tpu.memory_space<semaphore_mem>>) {add = true}
          %dma_wait3A_88 = arith.constant 0 : i32
          %dma_wait3A_89 = tpu.memref_slice %arg10[%add3A_52, %dma_wait3A_88] : memref<40x128xi32, #tpu.memory_space<vmem>> -> memref<1x128xi32, #tpu.memory_space<vmem>>
          %dma_wait3A_90 = tpu.memref_squeeze %dma_wait3A_89 : memref<1x128xi32, #tpu.memory_space<vmem>> -> memref<128xi32, #tpu.memory_space<vmem>>
          %dma_wait3A_91 = arith.constant 0 : i32
          %dma_wait3A_92 = arith.constant 0 : i32
          %dma_wait3A_93 = tpu.memref_slice %arg13[%dma_wait3A_91, %dma_wait3A_92] : memref<10112x128xf32, #tpu.memory_space<vmem_shared>> -> memref<10112x128xf32, #tpu.memory_space<vmem_shared>>
          tpu.wait_indirect_dma semaphore(%run_scoped3A : memref<!tpu.dma_semaphore, #tpu.memory_space<semaphore_mem>>) src(%arg11 : memref<128x128xf32, #tpu.memory_space<vmem>>) dst(%dma_wait3A_93 : memref<10112x128xf32, #tpu.memory_space<vmem_shared>>)
          tpu.yield
        }) : () -> ()
        %add3A_66 = arith.constant 2 : i32
        %add3A_67 = arith.addi %add3A_52, %add3A_66 : i32
        %lt3A = arith.constant 40 : i32
        %lt3A_68 = arith.cmpi slt, %add3A_67, %lt3A : i32
        %convert_element_type3A_69 = arith.extui %lt3A_68 : i1 to i32
        %cond3A_70 = arith.constant 0 : i32
        %cond3A_71 = arith.cmpi ne, %convert_element_type3A_69, %cond3A_70 : i32
        scf.if %cond3A_71 {
          %add3A_82 = arith.constant 2 : i32
          %add3A_83 = arith.addi %add3A_52, %add3A_82 : i32
          %dma_start3A_84 = arith.constant 0 : i32
          %dma_start3A_85 = tpu.memref_slice %arg9[%add3A_83, %dma_start3A_84] : memref<40x128xi32, #tpu.memory_space<vmem>> -> memref<1x128xi32, #tpu.memory_space<vmem>>
          %dma_start3A_86 = tpu.memref_squeeze %dma_start3A_85 : memref<1x128xi32, #tpu.memory_space<vmem>> -> memref<128xi32, #tpu.memory_space<vmem>>
          %dma_start3A_87 = arith.constant 0 : i32
          %dma_start3A_88 = arith.constant 0 : i32
          %dma_start3A_89 = tpu.memref_slice %arg3[%dma_start3A_87, %dma_start3A_88] : memref<10112x128xf32, #tpu.memory_space<hbm>> -> memref<10112x128xf32, #tpu.memory_space<hbm>>
          tpu.enqueue_indirect_dma source(%dma_start3A_89 : memref<10112x128xf32, #tpu.memory_space<hbm>>) target(%arg11 : memref<128x128xf32, #tpu.memory_space<vmem>>) offsets(%dma_start3A_86 : memref<128xi32, #tpu.memory_space<vmem>>) semaphore(%arg14 : memref<!tpu.dma_semaphore, #tpu.memory_space<semaphore_mem>>)
        } else {
        }
        %add3A_72 = arith.constant 1 : i32
        %add3A_73 = arith.addi %add3A_52, %add3A_72 : i32
        %dma_wait3A_74 = arith.constant 0 : i32
        %dma_wait3A_75 = tpu.memref_slice %arg9[%add3A_73, %dma_wait3A_74] : memref<40x128xi32, #tpu.memory_space<vmem>> -> memref<1x128xi32, #tpu.memory_space<vmem>>
        %dma_wait3A_76 = tpu.memref_squeeze %dma_wait3A_75 : memref<1x128xi32, #tpu.memory_space<vmem>> -> memref<128xi32, #tpu.memory_space<vmem>>
        %dma_wait3A_77 = arith.constant 0 : i32
        %dma_wait3A_78 = arith.constant 0 : i32
        %dma_wait3A_79 = tpu.memref_slice %arg3[%dma_wait3A_77, %dma_wait3A_78] : memref<10112x128xf32, #tpu.memory_space<hbm>> -> memref<10112x128xf32, #tpu.memory_space<hbm>>
        tpu.wait_indirect_dma semaphore(%arg15 : memref<!tpu.dma_semaphore, #tpu.memory_space<semaphore_mem>>) src(%dma_wait3A_79 : memref<10112x128xf32, #tpu.memory_space<hbm>>) dst(%arg12 : memref<128x128xf32, #tpu.memory_space<vmem>>)
        %add3A_80 = arith.constant 1 : i32
        %add3A_81 = arith.addi %add3A_52, %add3A_80 : i32
        "tpu.region"() ({
          %run_scoped3A = tpu.sem_alloc : memref<!tpu.dma_semaphore, #tpu.memory_space<semaphore_mem>>
          %dma_start3A_82 = arith.constant 0 : i32
          %dma_start3A_83 = tpu.memref_slice %arg10[%add3A_81, %dma_start3A_82] : memref<40x128xi32, #tpu.memory_space<vmem>> -> memref<1x128xi32, #tpu.memory_space<vmem>>
          %dma_start3A_84 = tpu.memref_squeeze %dma_start3A_83 : memref<1x128xi32, #tpu.memory_space<vmem>> -> memref<128xi32, #tpu.memory_space<vmem>>
          %dma_start3A_85 = arith.constant 0 : i32
          %dma_start3A_86 = arith.constant 0 : i32
          %dma_start3A_87 = tpu.memref_slice %arg13[%dma_start3A_85, %dma_start3A_86] : memref<10112x128xf32, #tpu.memory_space<vmem_shared>> -> memref<10112x128xf32, #tpu.memory_space<vmem_shared>>
          tpu.enqueue_indirect_dma source(%arg12 : memref<128x128xf32, #tpu.memory_space<vmem>>) target(%dma_start3A_87 : memref<10112x128xf32, #tpu.memory_space<vmem_shared>>) offsets(%dma_start3A_84 : memref<128xi32, #tpu.memory_space<vmem>>) semaphore(%run_scoped3A : memref<!tpu.dma_semaphore, #tpu.memory_space<semaphore_mem>>) {add = true}
          %dma_wait3A_88 = arith.constant 0 : i32
          %dma_wait3A_89 = tpu.memref_slice %arg10[%add3A_81, %dma_wait3A_88] : memref<40x128xi32, #tpu.memory_space<vmem>> -> memref<1x128xi32, #tpu.memory_space<vmem>>
          %dma_wait3A_90 = tpu.memref_squeeze %dma_wait3A_89 : memref<1x128xi32, #tpu.memory_space<vmem>> -> memref<128xi32, #tpu.memory_space<vmem>>
          %dma_wait3A_91 = arith.constant 0 : i32
          %dma_wait3A_92 = arith.constant 0 : i32
          %dma_wait3A_93 = tpu.memref_slice %arg13[%dma_wait3A_91, %dma_wait3A_92] : memref<10112x128xf32, #tpu.memory_space<vmem_shared>> -> memref<10112x128xf32, #tpu.memory_space<vmem_shared>>
          tpu.wait_indirect_dma semaphore(%run_scoped3A : memref<!tpu.dma_semaphore, #tpu.memory_space<semaphore_mem>>) src(%arg12 : memref<128x128xf32, #tpu.memory_space<vmem>>) dst(%dma_wait3A_93 : memref<10112x128xf32, #tpu.memory_space<vmem_shared>>)
          tpu.yield
        }) : () -> ()
      }
      %scan3A_31 = arith.constant 20 : i32
      %mul3A_32 = arith.constant 80 : i32
      %mul3A_33 = arith.muli %arg1, %mul3A_32 : i32
      %add3A_34 = arith.constant 40 : i32
      %add3A_35 = arith.addi %mul3A_33, %add3A_34 : i32
      "tpu.region"() ({
        %run_scoped3A = tpu.sem_alloc : memref<!tpu.dma_semaphore, #tpu.memory_space<semaphore_mem>>
        %dma_start3A_48 = arith.constant 0 : i32
        %dma_start3A_49 = tpu.memref_slice %arg4[%add3A_35, %dma_start3A_48] : memref<1280x128xi32, #tpu.memory_space<hbm>> -> memref<40x128xi32, #tpu.memory_space<hbm>>
        %dma_start3A_50 = arith.constant 0 : i32
        %dma_start3A_51 = tpu.memref_slice %arg4[%add3A_35, %dma_start3A_50] : memref<1280x128xi32, #tpu.memory_space<hbm>> -> memref<40x128xi32, #tpu.memory_space<hbm>>
        tpu.enqueue_dma source(%dma_start3A_51 : memref<40x128xi32, #tpu.memory_space<hbm>>) target(%arg9 : memref<40x128xi32, #tpu.memory_space<vmem>>) target_semaphore(%run_scoped3A : memref<!tpu.dma_semaphore, #tpu.memory_space<semaphore_mem>>)
        %dma_wait3A = arith.constant 0 : i32
        %dma_wait3A_52 = tpu.memref_slice %arg4[%add3A_35, %dma_wait3A] : memref<1280x128xi32, #tpu.memory_space<hbm>> -> memref<40x128xi32, #tpu.memory_space<hbm>>
        %dma_wait3A_53 = arith.constant 0 : i32
        %dma_wait3A_54 = tpu.memref_slice %arg4[%add3A_35, %dma_wait3A_53] : memref<1280x128xi32, #tpu.memory_space<hbm>> -> memref<40x128xi32, #tpu.memory_space<hbm>>
        tpu.wait_dma2 semaphore(%run_scoped3A : memref<!tpu.dma_semaphore, #tpu.memory_space<semaphore_mem>>) src(%dma_wait3A_54 : memref<40x128xi32, #tpu.memory_space<hbm>>) dst(%arg9 : memref<40x128xi32, #tpu.memory_space<vmem>>)
        tpu.yield
      }) : () -> ()
      "tpu.region"() ({
        %run_scoped3A = tpu.sem_alloc : memref<!tpu.dma_semaphore, #tpu.memory_space<semaphore_mem>>
        %dma_start3A_48 = arith.constant 0 : i32
        %dma_start3A_49 = tpu.memref_slice %arg5[%add3A_35, %dma_start3A_48] : memref<1280x128xi32, #tpu.memory_space<hbm>> -> memref<40x128xi32, #tpu.memory_space<hbm>>
        %dma_start3A_50 = arith.constant 0 : i32
        %dma_start3A_51 = tpu.memref_slice %arg5[%add3A_35, %dma_start3A_50] : memref<1280x128xi32, #tpu.memory_space<hbm>> -> memref<40x128xi32, #tpu.memory_space<hbm>>
        tpu.enqueue_dma source(%dma_start3A_51 : memref<40x128xi32, #tpu.memory_space<hbm>>) target(%arg10 : memref<40x128xi32, #tpu.memory_space<vmem>>) target_semaphore(%run_scoped3A : memref<!tpu.dma_semaphore, #tpu.memory_space<semaphore_mem>>)
        %dma_wait3A = arith.constant 0 : i32
        %dma_wait3A_52 = tpu.memref_slice %arg5[%add3A_35, %dma_wait3A] : memref<1280x128xi32, #tpu.memory_space<hbm>> -> memref<40x128xi32, #tpu.memory_space<hbm>>
        %dma_wait3A_53 = arith.constant 0 : i32
        %dma_wait3A_54 = tpu.memref_slice %arg5[%add3A_35, %dma_wait3A_53] : memref<1280x128xi32, #tpu.memory_space<hbm>> -> memref<40x128xi32, #tpu.memory_space<hbm>>
        tpu.wait_dma2 semaphore(%run_scoped3A : memref<!tpu.dma_semaphore, #tpu.memory_space<semaphore_mem>>) src(%dma_wait3A_54 : memref<40x128xi32, #tpu.memory_space<hbm>>) dst(%arg10 : memref<40x128xi32, #tpu.memory_space<vmem>>)
        tpu.yield
      }) : () -> ()
      %dma_start3A_36 = arith.constant 0 : i32
      %dma_start3A_37 = arith.constant 0 : i32
      %dma_start3A_38 = tpu.memref_slice %arg9[%dma_start3A_36, %dma_start3A_37] : memref<40x128xi32, #tpu.memory_space<vmem>> -> memref<1x128xi32, #tpu.memory_space<vmem>>
      %dma_start3A_39 = tpu.memref_squeeze %dma_start3A_38 : memref<1x128xi32, #tpu.memory_space<vmem>> -> memref<128xi32, #tpu.memory_space<vmem>>
      %dma_start3A_40 = arith.constant 0 : i32
      %dma_start3A_41 = arith.constant 0 : i32
      %dma_start3A_42 = tpu.memref_slice %arg3[%dma_start3A_40, %dma_start3A_41] : memref<10112x128xf32, #tpu.memory_space<hbm>> -> memref<10112x128xf32, #tpu.memory_space<hbm>>
      tpu.enqueue_indirect_dma source(%dma_start3A_42 : memref<10112x128xf32, #tpu.memory_space<hbm>>) target(%arg11 : memref<128x128xf32, #tpu.memory_space<vmem>>) offsets(%dma_start3A_39 : memref<128xi32, #tpu.memory_space<vmem>>) semaphore(%arg14 : memref<!tpu.dma_semaphore, #tpu.memory_space<semaphore_mem>>)
      %scan3A_43 = arith.constant 0 : i32
      %scan3A_44 = arith.constant 20 : i32
      %scan3A_45 = arith.addi %scan3A_43, %scan3A_44 : i32
      %scan3A_46 = arith.constant 1 : i32
      scf.for %scan3A_48 = %scan3A_43 to %scan3A_45 step %scan3A_46  : i32 {
        %mul3A_49 = arith.constant 2 : i32
        %mul3A_50 = arith.muli %scan3A_48, %mul3A_49 : i32
        %add3A_51 = arith.constant 0 : i32
        %add3A_52 = arith.addi %add3A_51, %mul3A_50 : i32
        %add3A_53 = arith.constant 1 : i32
        %add3A_54 = arith.addi %add3A_52, %add3A_53 : i32
        %dma_start3A_55 = arith.constant 0 : i32
        %dma_start3A_56 = tpu.memref_slice %arg9[%add3A_54, %dma_start3A_55] : memref<40x128xi32, #tpu.memory_space<vmem>> -> memref<1x128xi32, #tpu.memory_space<vmem>>
        %dma_start3A_57 = tpu.memref_squeeze %dma_start3A_56 : memref<1x128xi32, #tpu.memory_space<vmem>> -> memref<128xi32, #tpu.memory_space<vmem>>
        %dma_start3A_58 = arith.constant 0 : i32
        %dma_start3A_59 = arith.constant 0 : i32
        %dma_start3A_60 = tpu.memref_slice %arg3[%dma_start3A_58, %dma_start3A_59] : memref<10112x128xf32, #tpu.memory_space<hbm>> -> memref<10112x128xf32, #tpu.memory_space<hbm>>
        tpu.enqueue_indirect_dma source(%dma_start3A_60 : memref<10112x128xf32, #tpu.memory_space<hbm>>) target(%arg12 : memref<128x128xf32, #tpu.memory_space<vmem>>) offsets(%dma_start3A_57 : memref<128xi32, #tpu.memory_space<vmem>>) semaphore(%arg15 : memref<!tpu.dma_semaphore, #tpu.memory_space<semaphore_mem>>)
        %dma_wait3A = arith.constant 0 : i32
        %dma_wait3A_61 = tpu.memref_slice %arg9[%add3A_52, %dma_wait3A] : memref<40x128xi32, #tpu.memory_space<vmem>> -> memref<1x128xi32, #tpu.memory_space<vmem>>
        %dma_wait3A_62 = tpu.memref_squeeze %dma_wait3A_61 : memref<1x128xi32, #tpu.memory_space<vmem>> -> memref<128xi32, #tpu.memory_space<vmem>>
        %dma_wait3A_63 = arith.constant 0 : i32
        %dma_wait3A_64 = arith.constant 0 : i32
        %dma_wait3A_65 = tpu.memref_slice %arg3[%dma_wait3A_63, %dma_wait3A_64] : memref<10112x128xf32, #tpu.memory_space<hbm>> -> memref<10112x128xf32, #tpu.memory_space<hbm>>
        tpu.wait_indirect_dma semaphore(%arg14 : memref<!tpu.dma_semaphore, #tpu.memory_space<semaphore_mem>>) src(%dma_wait3A_65 : memref<10112x128xf32, #tpu.memory_space<hbm>>) dst(%arg11 : memref<128x128xf32, #tpu.memory_space<vmem>>)
        "tpu.region"() ({
          %run_scoped3A = tpu.sem_alloc : memref<!tpu.dma_semaphore, #tpu.memory_space<semaphore_mem>>
          %dma_start3A_82 = arith.constant 0 : i32
          %dma_start3A_83 = tpu.memref_slice %arg10[%add3A_52, %dma_start3A_82] : memref<40x128xi32, #tpu.memory_space<vmem>> -> memref<1x128xi32, #tpu.memory_space<vmem>>
          %dma_start3A_84 = tpu.memref_squeeze %dma_start3A_83 : memref<1x128xi32, #tpu.memory_space<vmem>> -> memref<128xi32, #tpu.memory_space<vmem>>
          %dma_start3A_85 = arith.constant 0 : i32
          %dma_start3A_86 = arith.constant 0 : i32
          %dma_start3A_87 = tpu.memref_slice %arg13[%dma_start3A_85, %dma_start3A_86] : memref<10112x128xf32, #tpu.memory_space<vmem_shared>> -> memref<10112x128xf32, #tpu.memory_space<vmem_shared>>
          tpu.enqueue_indirect_dma source(%arg11 : memref<128x128xf32, #tpu.memory_space<vmem>>) target(%dma_start3A_87 : memref<10112x128xf32, #tpu.memory_space<vmem_shared>>) offsets(%dma_start3A_84 : memref<128xi32, #tpu.memory_space<vmem>>) semaphore(%run_scoped3A : memref<!tpu.dma_semaphore, #tpu.memory_space<semaphore_mem>>) {add = true}
          %dma_wait3A_88 = arith.constant 0 : i32
          %dma_wait3A_89 = tpu.memref_slice %arg10[%add3A_52, %dma_wait3A_88] : memref<40x128xi32, #tpu.memory_space<vmem>> -> memref<1x128xi32, #tpu.memory_space<vmem>>
          %dma_wait3A_90 = tpu.memref_squeeze %dma_wait3A_89 : memref<1x128xi32, #tpu.memory_space<vmem>> -> memref<128xi32, #tpu.memory_space<vmem>>
          %dma_wait3A_91 = arith.constant 0 : i32
          %dma_wait3A_92 = arith.constant 0 : i32
          %dma_wait3A_93 = tpu.memref_slice %arg13[%dma_wait3A_91, %dma_wait3A_92] : memref<10112x128xf32, #tpu.memory_space<vmem_shared>> -> memref<10112x128xf32, #tpu.memory_space<vmem_shared>>
          tpu.wait_indirect_dma semaphore(%run_scoped3A : memref<!tpu.dma_semaphore, #tpu.memory_space<semaphore_mem>>) src(%arg11 : memref<128x128xf32, #tpu.memory_space<vmem>>) dst(%dma_wait3A_93 : memref<10112x128xf32, #tpu.memory_space<vmem_shared>>)
          tpu.yield
        }) : () -> ()
        %add3A_66 = arith.constant 2 : i32
        %add3A_67 = arith.addi %add3A_52, %add3A_66 : i32
        %lt3A = arith.constant 40 : i32
        %lt3A_68 = arith.cmpi slt, %add3A_67, %lt3A : i32
        %convert_element_type3A_69 = arith.extui %lt3A_68 : i1 to i32
        %cond3A_70 = arith.constant 0 : i32
        %cond3A_71 = arith.cmpi ne, %convert_element_type3A_69, %cond3A_70 : i32
        scf.if %cond3A_71 {
          %add3A_82 = arith.constant 2 : i32
          %add3A_83 = arith.addi %add3A_52, %add3A_82 : i32
          %dma_start3A_84 = arith.constant 0 : i32
          %dma_start3A_85 = tpu.memref_slice %arg9[%add3A_83, %dma_start3A_84] : memref<40x128xi32, #tpu.memory_space<vmem>> -> memref<1x128xi32, #tpu.memory_space<vmem>>
          %dma_start3A_86 = tpu.memref_squeeze %dma_start3A_85 : memref<1x128xi32, #tpu.memory_space<vmem>> -> memref<128xi32, #tpu.memory_space<vmem>>
          %dma_start3A_87 = arith.constant 0 : i32
          %dma_start3A_88 = arith.constant 0 : i32
          %dma_start3A_89 = tpu.memref_slice %arg3[%dma_start3A_87, %dma_start3A_88] : memref<10112x128xf32, #tpu.memory_space<hbm>> -> memref<10112x128xf32, #tpu.memory_space<hbm>>
          tpu.enqueue_indirect_dma source(%dma_start3A_89 : memref<10112x128xf32, #tpu.memory_space<hbm>>) target(%arg11 : memref<128x128xf32, #tpu.memory_space<vmem>>) offsets(%dma_start3A_86 : memref<128xi32, #tpu.memory_space<vmem>>) semaphore(%arg14 : memref<!tpu.dma_semaphore, #tpu.memory_space<semaphore_mem>>)
        } else {
        }
        %add3A_72 = arith.constant 1 : i32
        %add3A_73 = arith.addi %add3A_52, %add3A_72 : i32
        %dma_wait3A_74 = arith.constant 0 : i32
        %dma_wait3A_75 = tpu.memref_slice %arg9[%add3A_73, %dma_wait3A_74] : memref<40x128xi32, #tpu.memory_space<vmem>> -> memref<1x128xi32, #tpu.memory_space<vmem>>
        %dma_wait3A_76 = tpu.memref_squeeze %dma_wait3A_75 : memref<1x128xi32, #tpu.memory_space<vmem>> -> memref<128xi32, #tpu.memory_space<vmem>>
        %dma_wait3A_77 = arith.constant 0 : i32
        %dma_wait3A_78 = arith.constant 0 : i32
        %dma_wait3A_79 = tpu.memref_slice %arg3[%dma_wait3A_77, %dma_wait3A_78] : memref<10112x128xf32, #tpu.memory_space<hbm>> -> memref<10112x128xf32, #tpu.memory_space<hbm>>
        tpu.wait_indirect_dma semaphore(%arg15 : memref<!tpu.dma_semaphore, #tpu.memory_space<semaphore_mem>>) src(%dma_wait3A_79 : memref<10112x128xf32, #tpu.memory_space<hbm>>) dst(%arg12 : memref<128x128xf32, #tpu.memory_space<vmem>>)
        %add3A_80 = arith.constant 1 : i32
        %add3A_81 = arith.addi %add3A_52, %add3A_80 : i32
        "tpu.region"() ({
          %run_scoped3A = tpu.sem_alloc : memref<!tpu.dma_semaphore, #tpu.memory_space<semaphore_mem>>
          %dma_start3A_82 = arith.constant 0 : i32
          %dma_start3A_83 = tpu.memref_slice %arg10[%add3A_81, %dma_start3A_82] : memref<40x128xi32, #tpu.memory_space<vmem>> -> memref<1x128xi32, #tpu.memory_space<vmem>>
          %dma_start3A_84 = tpu.memref_squeeze %dma_start3A_83 : memref<1x128xi32, #tpu.memory_space<vmem>> -> memref<128xi32, #tpu.memory_space<vmem>>
          %dma_start3A_85 = arith.constant 0 : i32
          %dma_start3A_86 = arith.constant 0 : i32
          %dma_start3A_87 = tpu.memref_slice %arg13[%dma_start3A_85, %dma_start3A_86] : memref<10112x128xf32, #tpu.memory_space<vmem_shared>> -> memref<10112x128xf32, #tpu.memory_space<vmem_shared>>
          tpu.enqueue_indirect_dma source(%arg12 : memref<128x128xf32, #tpu.memory_space<vmem>>) target(%dma_start3A_87 : memref<10112x128xf32, #tpu.memory_space<vmem_shared>>) offsets(%dma_start3A_84 : memref<128xi32, #tpu.memory_space<vmem>>) semaphore(%run_scoped3A : memref<!tpu.dma_semaphore, #tpu.memory_space<semaphore_mem>>) {add = true}
          %dma_wait3A_88 = arith.constant 0 : i32
          %dma_wait3A_89 = tpu.memref_slice %arg10[%add3A_81, %dma_wait3A_88] : memref<40x128xi32, #tpu.memory_space<vmem>> -> memref<1x128xi32, #tpu.memory_space<vmem>>
          %dma_wait3A_90 = tpu.memref_squeeze %dma_wait3A_89 : memref<1x128xi32, #tpu.memory_space<vmem>> -> memref<128xi32, #tpu.memory_space<vmem>>
          %dma_wait3A_91 = arith.constant 0 : i32
          %dma_wait3A_92 = arith.constant 0 : i32
          %dma_wait3A_93 = tpu.memref_slice %arg13[%dma_wait3A_91, %dma_wait3A_92] : memref<10112x128xf32, #tpu.memory_space<vmem_shared>> -> memref<10112x128xf32, #tpu.memory_space<vmem_shared>>
          tpu.wait_indirect_dma semaphore(%run_scoped3A : memref<!tpu.dma_semaphore, #tpu.memory_space<semaphore_mem>>) src(%arg12 : memref<128x128xf32, #tpu.memory_space<vmem>>) dst(%dma_wait3A_93 : memref<10112x128xf32, #tpu.memory_space<vmem_shared>>)
          tpu.yield
        }) : () -> ()
      }
      %scan3A_47 = arith.constant 20 : i32
    } else {
    }
    %barrier3A_8 = arith.constant 0 : index
    tpu.barrier barrier_id(%barrier3A_8)
    %eq3A_9 = arith.constant 0 : i32
    %eq3A_10 = arith.cmpi eq, %arg0, %eq3A_9 : i32
    %convert_element_type3A_11 = arith.extui %eq3A_10 : i1 to i32
    %cond3A_12 = arith.constant 0 : i32
    %cond3A_13 = arith.cmpi ne, %convert_element_type3A_11, %cond3A_12 : i32
    scf.if %cond3A_13 {
      "tpu.region"() ({
        %run_scoped3A = tpu.sem_alloc : memref<!tpu.dma_semaphore, #tpu.memory_space<semaphore_mem>>
        %dma_start3A = arith.constant 0 : i32
        %dma_start3A_19 = tpu.memref_slice %arg7[%mul3A_0, %dma_start3A] : memref<10112x128xf32, #tpu.memory_space<hbm>> -> memref<632x128xf32, #tpu.memory_space<hbm>>
        %dma_start3A_20 = arith.constant 0 : i32
        %dma_start3A_21 = tpu.memref_slice %arg13[%mul3A_0, %dma_start3A_20] : memref<10112x128xf32, #tpu.memory_space<vmem_shared>> -> memref<632x128xf32, #tpu.memory_space<vmem_shared>>
        tpu.enqueue_dma source(%dma_start3A_21 : memref<632x128xf32, #tpu.memory_space<vmem_shared>>) target(%dma_start3A_19 : memref<632x128xf32, #tpu.memory_space<hbm>>) target_semaphore(%run_scoped3A : memref<!tpu.dma_semaphore, #tpu.memory_space<semaphore_mem>>)
        %dma_wait3A = arith.constant 0 : i32
        %dma_wait3A_22 = tpu.memref_slice %arg7[%mul3A_0, %dma_wait3A] : memref<10112x128xf32, #tpu.memory_space<hbm>> -> memref<632x128xf32, #tpu.memory_space<hbm>>
        %dma_wait3A_23 = arith.constant 0 : i32
        %dma_wait3A_24 = tpu.memref_slice %arg13[%mul3A_0, %dma_wait3A_23] : memref<10112x128xf32, #tpu.memory_space<vmem_shared>> -> memref<632x128xf32, #tpu.memory_space<vmem_shared>>
        tpu.wait_dma2 semaphore(%run_scoped3A : memref<!tpu.dma_semaphore, #tpu.memory_space<semaphore_mem>>) src(%dma_wait3A_24 : memref<632x128xf32, #tpu.memory_space<vmem_shared>>) dst(%dma_wait3A_22 : memref<632x128xf32, #tpu.memory_space<hbm>>)
        tpu.yield
      }) : () -> ()
    } else {
    }
    %eq3A_14 = arith.constant 1 : i32
    %eq3A_15 = arith.cmpi eq, %arg0, %eq3A_14 : i32
    %convert_element_type3A_16 = arith.extui %eq3A_15 : i1 to i32
    %cond3A_17 = arith.constant 0 : i32
    %cond3A_18 = arith.cmpi ne, %convert_element_type3A_16, %cond3A_17 : i32
    scf.if %cond3A_18 {
      "tpu.region"() ({
        %run_scoped3A = tpu.sem_alloc : memref<!tpu.dma_semaphore, #tpu.memory_space<semaphore_mem>>
        %dma_start3A = arith.constant 0 : i32
        %dma_start3A_19 = tpu.memref_slice %arg8[%mul3A_0, %dma_start3A] : memref<10112x128xf32, #tpu.memory_space<hbm>> -> memref<632x128xf32, #tpu.memory_space<hbm>>
        %dma_start3A_20 = arith.constant 0 : i32
        %dma_start3A_21 = tpu.memref_slice %arg13[%mul3A_0, %dma_start3A_20] : memref<10112x128xf32, #tpu.memory_space<vmem_shared>> -> memref<632x128xf32, #tpu.memory_space<vmem_shared>>
        tpu.enqueue_dma source(%dma_start3A_21 : memref<632x128xf32, #tpu.memory_space<vmem_shared>>) target(%dma_start3A_19 : memref<632x128xf32, #tpu.memory_space<hbm>>) target_semaphore(%run_scoped3A : memref<!tpu.dma_semaphore, #tpu.memory_space<semaphore_mem>>)
        %dma_wait3A = arith.constant 0 : i32
        %dma_wait3A_22 = tpu.memref_slice %arg8[%mul3A_0, %dma_wait3A] : memref<10112x128xf32, #tpu.memory_space<hbm>> -> memref<632x128xf32, #tpu.memory_space<hbm>>
        %dma_wait3A_23 = arith.constant 0 : i32
        %dma_wait3A_24 = tpu.memref_slice %arg13[%mul3A_0, %dma_wait3A_23] : memref<10112x128xf32, #tpu.memory_space<vmem_shared>> -> memref<632x128xf32, #tpu.memory_space<vmem_shared>>
        tpu.wait_dma2 semaphore(%run_scoped3A : memref<!tpu.dma_semaphore, #tpu.memory_space<semaphore_mem>>) src(%dma_wait3A_24 : memref<632x128xf32, #tpu.memory_space<vmem_shared>>) dst(%dma_wait3A_22 : memref<632x128xf32, #tpu.memory_space<hbm>>)
        tpu.yield
      }) : () -> ()
    } else {
    }
    return
  }
}

module attributes {stable_mosaic.version = 14 : i64} {
  func.func @body(%arg0: i32, %arg1: memref<1000x256xf32, #tpu.memory_space<vmem>>, %arg2: memref<1000x128xf32, #tpu.memory_space<vmem>>, %arg3: memref<1000x128xf32, #tpu.memory_space<vmem>>, %arg4: memref<256x256xf32, #tpu.memory_space<vmem>>, %arg5: memref<1x256xf32, #tpu.memory_space<vmem>>, %arg6: memref<256x256xf32, #tpu.memory_space<vmem>>, %arg7: memref<1x256xf32, #tpu.memory_space<vmem>>, %arg8: memref<1x1xf32, #tpu.memory_space<vmem>>, %arg9: memref<1x256xf32, #tpu.memory_space<vmem>>, %arg10: memref<1x256xf32, #tpu.memory_space<vmem>>, %arg11: memref<1000x256xf32, #tpu.memory_space<vmem>>) attributes {dimension_semantics = [#tpu.dimension_semantics<arbitrary>], iteration_bounds = array<i64: 10>, scalar_prefetch = 0 : i64, scratch_operands = 0 : i64, tpu.core_type = #tpu.core_type<tc>, window_params = [{transform_indices = @transform_0, window_bounds = array<i64: 1000, 256>}, {transform_indices = @transform_1, window_bounds = array<i64: 1000, 128>}, {transform_indices = @transform_2, window_bounds = array<i64: 1000, 128>}, {pipeline_mode = #tpu.pipeline_mode<synchronous>, transform_indices = @transform_3, window_bounds = array<i64: 256, 256>}, {pipeline_mode = #tpu.pipeline_mode<synchronous>, transform_indices = @transform_4, window_bounds = array<i64: 1, 256>}, {pipeline_mode = #tpu.pipeline_mode<synchronous>, transform_indices = @transform_5, window_bounds = array<i64: 256, 256>}, {pipeline_mode = #tpu.pipeline_mode<synchronous>, transform_indices = @transform_6, window_bounds = array<i64: 1, 256>}, {pipeline_mode = #tpu.pipeline_mode<synchronous>, transform_indices = @transform_7, window_bounds = array<i64: 1, 1>}, {pipeline_mode = #tpu.pipeline_mode<synchronous>, transform_indices = @transform_8, window_bounds = array<i64: 1, 256>}, {pipeline_mode = #tpu.pipeline_mode<synchronous>, transform_indices = @transform_9, window_bounds = array<i64: 1, 256>}, {transform_indices = @transform_10, window_bounds = array<i64: 1000, 256>}]} {
    %get3A = arith.constant 0 : index
    %get3A_0 = arith.constant 0 : index
    %get3A_1 = vector.load %arg1[%get3A, %get3A_0] : memref<1000x256xf32, #tpu.memory_space<vmem>>, vector<1000x256xf32>
    %get3A_2 = arith.constant 0 : index
    %get3A_3 = arith.constant 0 : index
    %get3A_4 = vector.load %arg8[%get3A_2, %get3A_3] : memref<1x1xf32, #tpu.memory_space<vmem>>, vector<1x1xf32>
    %get3A_5 = vector.extract %get3A_4[0, 0] : f32 from vector<1x1xf32>
    %mul3A = vector.broadcast %get3A_5 : f32 to vector<1000x256xf32>
    %mul3A_6 = arith.mulf %mul3A, %get3A_1 : vector<1000x256xf32>
    %get3A_7 = arith.constant 0 : index
    %get3A_8 = arith.constant 0 : index
    %get3A_9 = vector.load %arg2[%get3A_7, %get3A_8] : memref<1000x128xf32, #tpu.memory_space<vmem>>, vector<1000x128xf32>
    %get3A_10 = arith.constant 0 : index
    %get3A_11 = arith.constant 0 : index
    %get3A_12 = vector.load %arg3[%get3A_10, %get3A_11] : memref<1000x128xf32, #tpu.memory_space<vmem>>, vector<1000x128xf32>
    %concatenate3A = tpu.concatenate %get3A_9, %get3A_12 in 1 : vector<1000x128xf32>, vector<1000x128xf32> -> vector<1000x256xf32>
    %add3A = arith.addf %mul3A_6, %concatenate3A : vector<1000x256xf32>
    %get3A_13 = arith.constant 0 : index
    %get3A_14 = arith.constant 0 : index
    %get3A_15 = vector.load %arg4[%get3A_13, %get3A_14] : memref<256x256xf32, #tpu.memory_space<vmem>>, vector<256x256xf32>
    %dot_general3A = arith.constant dense<0.000000e+00> : vector<1000x256xf32>
    %dot_general3A_16 = tpu.matmul %add3A, %get3A_15, %dot_general3A {dimension_numbers = #tpu.dot_dimension_numbers<[1], [0], [0], [1], [0, 0, 1, 1], [], []>, precision = #tpu.contract_precision<fp32>, transpose_lhs_hint = false} : vector<1000x256xf32>, vector<256x256xf32>, vector<1000x256xf32> -> vector<1000x256xf32>
    %get3A_17 = arith.constant 0 : index
    %get3A_18 = arith.constant 0 : index
    %get3A_19 = vector.load %arg5[%get3A_17, %get3A_18] : memref<1x256xf32, #tpu.memory_space<vmem>>, vector<1x256xf32>
    %add3A_20 = vector.broadcast %get3A_19 : vector<1x256xf32> to vector<1000x256xf32>
    %add3A_21 = arith.addf %dot_general3A_16, %add3A_20 : vector<1000x256xf32>
    %max3A = arith.constant 0.000000e+00 : f32
    %max3A_22 = vector.broadcast %max3A : f32 to vector<1000x256xf32>
    %max3A_23 = arith.maximumf %add3A_21, %max3A_22 : vector<1000x256xf32>
    %get3A_24 = arith.constant 0 : index
    %get3A_25 = arith.constant 0 : index
    %get3A_26 = vector.load %arg6[%get3A_24, %get3A_25] : memref<256x256xf32, #tpu.memory_space<vmem>>, vector<256x256xf32>
    %dot_general3A_27 = arith.constant dense<0.000000e+00> : vector<1000x256xf32>
    %dot_general3A_28 = tpu.matmul %max3A_23, %get3A_26, %dot_general3A_27 {dimension_numbers = #tpu.dot_dimension_numbers<[1], [0], [0], [1], [0, 0, 1, 1], [], []>, precision = #tpu.contract_precision<fp32>, transpose_lhs_hint = false} : vector<1000x256xf32>, vector<256x256xf32>, vector<1000x256xf32> -> vector<1000x256xf32>
    %get3A_29 = arith.constant 0 : index
    %get3A_30 = arith.constant 0 : index
    %get3A_31 = vector.load %arg7[%get3A_29, %get3A_30] : memref<1x256xf32, #tpu.memory_space<vmem>>, vector<1x256xf32>
    %add3A_32 = vector.broadcast %get3A_31 : vector<1x256xf32> to vector<1000x256xf32>
    %add3A_33 = arith.addf %dot_general3A_28, %add3A_32 : vector<1000x256xf32>
    %add3A_34 = arith.addf %add3A_33, %get3A_1 : vector<1000x256xf32>
    %reduce_sum3A = arith.constant dense<0.000000e+00> : vector<1000xf32>
    %reduce_sum3A_35 = vector.multi_reduction <add>, %add3A_34, %reduce_sum3A [1] : vector<1000x256xf32> to vector<1000xf32>
    %broadcast_in_dim3A = vector.shape_cast %reduce_sum3A_35 : vector<1000xf32> to vector<1000x1xf32>
    %div3A = arith.constant 2.560000e+02 : f32
    %div3A_36 = vector.broadcast %div3A : f32 to vector<1000x1xf32>
    %div3A_37 = arith.divf %broadcast_in_dim3A, %div3A_36 : vector<1000x1xf32>
    %sub3A = vector.broadcast %div3A_37 : vector<1000x1xf32> to vector<1000x256xf32>
    %sub3A_38 = arith.subf %add3A_34, %sub3A : vector<1000x256xf32>
    %mul3A_39 = arith.mulf %sub3A_38, %sub3A_38 : vector<1000x256xf32>
    %reduce_sum3A_40 = arith.constant dense<0.000000e+00> : vector<1000xf32>
    %reduce_sum3A_41 = vector.multi_reduction <add>, %mul3A_39, %reduce_sum3A_40 [1] : vector<1000x256xf32> to vector<1000xf32>
    %broadcast_in_dim3A_42 = vector.shape_cast %reduce_sum3A_41 : vector<1000xf32> to vector<1000x1xf32>
    %div3A_43 = arith.constant 2.560000e+02 : f32
    %div3A_44 = vector.broadcast %div3A_43 : f32 to vector<1000x1xf32>
    %div3A_45 = arith.divf %broadcast_in_dim3A_42, %div3A_44 : vector<1000x1xf32>
    %add3A_46 = arith.constant 9.99999974E-6 : f32
    %add3A_47 = vector.broadcast %add3A_46 : f32 to vector<1000x1xf32>
    %add3A_48 = arith.addf %div3A_45, %add3A_47 : vector<1000x1xf32>
    %rsqrt3A = math.rsqrt %add3A_48 : vector<1000x1xf32>
    %mul3A_49 = vector.broadcast %rsqrt3A : vector<1000x1xf32> to vector<1000x256xf32>
    %mul3A_50 = arith.mulf %sub3A_38, %mul3A_49 : vector<1000x256xf32>
    %get3A_51 = arith.constant 0 : index
    %get3A_52 = arith.constant 0 : index
    %get3A_53 = vector.load %arg9[%get3A_51, %get3A_52] : memref<1x256xf32, #tpu.memory_space<vmem>>, vector<1x256xf32>
    %mul3A_54 = vector.broadcast %get3A_53 : vector<1x256xf32> to vector<1000x256xf32>
    %mul3A_55 = arith.mulf %mul3A_50, %mul3A_54 : vector<1000x256xf32>
    %get3A_56 = arith.constant 0 : index
    %get3A_57 = arith.constant 0 : index
    %get3A_58 = vector.load %arg10[%get3A_56, %get3A_57] : memref<1x256xf32, #tpu.memory_space<vmem>>, vector<1x256xf32>
    %add3A_59 = vector.broadcast %get3A_58 : vector<1x256xf32> to vector<1000x256xf32>
    %add3A_60 = arith.addf %mul3A_55, %add3A_59 : vector<1000x256xf32>
    %max3A_61 = arith.constant 0.000000e+00 : f32
    %max3A_62 = vector.broadcast %max3A_61 : f32 to vector<1000x256xf32>
    %max3A_63 = arith.maximumf %add3A_60, %max3A_62 : vector<1000x256xf32>
    %swap3A = arith.constant 0 : index
    %swap3A_64 = arith.constant 0 : index
    %swap3A_65 = vector.load %arg11[%swap3A, %swap3A_64] : memref<1000x256xf32, #tpu.memory_space<vmem>>, vector<1000x256xf32>
    tpu.vector_store %arg11[%swap3A, %swap3A_64], %max3A_63 {strides = array<i32>} : memref<1000x256xf32, #tpu.memory_space<vmem>>, vector<1000x256xf32>,
    return
  }
  func.func @transform_0(%arg0: i32) -> (i32, i32) {
    %c0_i32 = arith.constant 0 : i32
    %c0_i32_0 = arith.constant 0 : i32
    return %arg0, %c0_i32 : i32, i32
  }
  func.func @transform_1(%arg0: i32) -> (i32, i32) {
    %c0_i32 = arith.constant 0 : i32
    %c0_i32_0 = arith.constant 0 : i32
    return %arg0, %c0_i32 : i32, i32
  }
  func.func @transform_2(%arg0: i32) -> (i32, i32) {
    %c0_i32 = arith.constant 0 : i32
    %c0_i32_0 = arith.constant 0 : i32
    return %arg0, %c0_i32 : i32, i32
  }
  func.func @transform_3(%arg0: i32) -> (i32, i32) {
    %c0_i32 = arith.constant 0 : i32
    %c0_i32_0 = arith.constant 0 : i32
    %c0_i32_1 = arith.constant 0 : i32
    return %c0_i32, %c0_i32_0 : i32, i32
  }
  func.func @transform_4(%arg0: i32) -> (i32, i32) {
    %c0_i32 = arith.constant 0 : i32
    %c0_i32_0 = arith.constant 0 : i32
    %c0_i32_1 = arith.constant 0 : i32
    return %c0_i32, %c0_i32_0 : i32, i32
  }
  func.func @transform_5(%arg0: i32) -> (i32, i32) {
    %c0_i32 = arith.constant 0 : i32
    %c0_i32_0 = arith.constant 0 : i32
    %c0_i32_1 = arith.constant 0 : i32
    return %c0_i32, %c0_i32_0 : i32, i32
  }
  func.func @transform_6(%arg0: i32) -> (i32, i32) {
    %c0_i32 = arith.constant 0 : i32
    %c0_i32_0 = arith.constant 0 : i32
    %c0_i32_1 = arith.constant 0 : i32
    return %c0_i32, %c0_i32_0 : i32, i32
  }
  func.func @transform_7(%arg0: i32) -> (i32, i32) {
    %c0_i32 = arith.constant 0 : i32
    %c0_i32_0 = arith.constant 0 : i32
    %c0_i32_1 = arith.constant 0 : i32
    return %c0_i32, %c0_i32_0 : i32, i32
  }
  func.func @transform_8(%arg0: i32) -> (i32, i32) {
    %c0_i32 = arith.constant 0 : i32
    %c0_i32_0 = arith.constant 0 : i32
    %c0_i32_1 = arith.constant 0 : i32
    return %c0_i32, %c0_i32_0 : i32, i32
  }
  func.func @transform_9(%arg0: i32) -> (i32, i32) {
    %c0_i32 = arith.constant 0 : i32
    %c0_i32_0 = arith.constant 0 : i32
    %c0_i32_1 = arith.constant 0 : i32
    return %c0_i32, %c0_i32_0 : i32, i32
  }
  func.func @transform_10(%arg0: i32) -> (i32, i32) {
    %c0_i32 = arith.constant 0 : i32
    %c0_i32_0 = arith.constant 0 : i32
    return %arg0, %c0_i32 : i32, i32
  }
}

</mosaic_0001>

<sc_bundles>
// kernel: kernel.4.cloned.1.call-start
scs
__scs_entry_jumppad:
0x0: {  	(pc) =	sbr.rel $0x88, $3  }
0x1: {  	(tag) =	ssettag $0x0;
	lr =	simm.s32 $0x1  }
0x2: {  	[smem:$0x3F98] =	sst lr;
	_ =	strace $0xD0000000  }
0x3: {  	_ = 	snop  }
0x4: {  	_ = 	snop  }
0x5: {  	_ = 	snop  }
0x6: {  	_ = 	snop  }
0x7: {  	_ = 	snop  }
__scs_overlays_trampoline_lowered:
0x8: {  	[smem:$0x3FA7] =	sst s0  }
0x9: {  	[smem:$0x3FA8] =	sst s1  }
0xa: {  	[smem:$0x3FA9] =	sst s2  }
0xb: {  	[smem:$0x3FAA] =	sst s3  }
0xc: {  	[smem:$0x3FAB] =	sst s4  }
0xd: {  	[smem:$0x3FAC] =	sst s5  }
0xe: {  	[smem:$0x3FAD] =	sst s6  }
0xf: {  	[smem:$0x3FAE] =	sst s7  }
0x10: {  	[smem:$0x3FAF] =	sst s8  }
0x11: {  	[smem:$0x3FB0] =	sst s9;
	s0 =	simm.s32 @!p0 $0x0  }
0x12: {  	s1 =	sld [smem:$0x3F96];
	s0 =	simm.s32 @p0 $0x1  }
0x13: {  	[smem:$0x3FB1] =	sst s0;
	s0 =	simm.s32 @!p1 $0x0  }
0x14: {  	s2 =	sld [smem:$0x3F95];
	s0 =	simm.s32 @p1 $0x1  }
0x15: {  	[smem:$0x3FB2] =	sst s0;
	s0 =	simm.s32 @!p2 $0x0  }
0x16: {  	s3 =	sld [smem:$0x3FDB];
	s0 =	simm.s32 @p2 $0x1  }
0x17: {  	s4 =	simm.s32 $0x1BF5;
	[smem:$0x3FB4] =	sst s0  }
0x18: {  	s0 =	sld [smem:$0x3F97];
	_ =	swait.ge [sflag:s4], $0x0  }
0x19: {  	s7 =	sld [smem:$0x3F98]  }
0x1a: {  	s8 =	sadd.s32 $0xFFFFE003, lr  }
0x1b: {  	s9 =	sadd.s32 $0xFFFFFEF7, lr;
	s5 =	simm.s32 $0xFFFFFFFF;
	p2 =	slt.u32 s8, $0xFFFFF086  }
0x1c: {  	p1 =	slt.u32 s9, $0xF7A;
	s5 =	simm.s32 @!p2 $0x0  }
0x1d: {  	s5 =	simm.s32 @p1 $0x1;
	p0 =	seq.s32 s7, s2  }
0x1e: {  	s7 =	smul.u32 @!p0 $0xF7A, s2;
	p2 =	seq.s32 @!p0 s5, $0x0  }
0x1f: {  	s9 =	smul.u32 $0xF7A, s1;
	s8 =	simm.s32 @!p0 $0x1BF5;
	p2 =	por !p2, p0  }
0x20: {  	[sflag:s8] =	ssyncset.s32 @!p0 $0xFFFFF086;
	s6 =	sadd.s32 @!p0 s3, s7;
	s7 =	simm.s32 @!p0 $0x108  }
0x21: {  	s3 =	sadd.s32 s3, s9;
	s6 =	sadd.s32 @!p0 $0x88, s6;
	s7 =	simm.s32 @p2 $0x1082  }
0x22: {  	[simem:s7], [sflag:s8] =	dma.local @!p0 [hbm:s6], $0xF7A  }
0x23: {  	s9 =	sor.u32 $0xD0000000, s2;
	s6 =	simm.s32 $0x108;
	_ =	swait.ge @!p0 [sflag:s8], $0x0  }
0x24: {  	s3 =	sadd.s32 $0x88, s3;
	s6 =	simm.s32 @!p1 $0x1082;
	[sflag:s4] =	ssyncset.s32 $0xFFFFF086  }
0x25: {  	[simem:s6], [sflag:s4] =	dma.local [hbm:s3], $0xF7A  }
0x26: {  	[smem:$0x3F98] =	sst s1;
	(tag) =	ssettag s2;
	_ =	strace s9  }
0x27: {  	s1 =	sld [smem:$0x3FA8]  }
0x28: {  	s2 =	sld [smem:$0x3FA9]  }
0x29: {  	s4 =	sld [smem:$0x3FAB]  }
0x2a: {  	p0 =	seq.s32 s5, $0x0;
	s5 =	sld [smem:$0x3FAC]  }
0x2b: {  	s6 =	sld [smem:$0x3FAD]  }
0x2c: {  	s7 =	sld [smem:$0x3FAE]  }
0x2d: {  	s3 =	simm.s32 $0x108;
	s8 =	sld [smem:$0x3FAF]  }
0x2e: {  	s3 =	simm.s32 @!p0 $0x1082;
	s9 =	sld [smem:$0x3FB0]  }
0x2f: {  	lr =	sadd.s32 s0, s3;
	s0 =	sld [smem:$0x3FA7]  }
0x30: {  	s3 =	sld [smem:$0x3FAA]  }
0x31: {  	[smem:$0x3FB3] =	sst s10  }
0x32: {  	s10 =	sld [smem:$0x3FB1];
	_ =	sdelay $0x3  }
0x33: {  	p0 =	seq.s32 s10, $0x1;
	s10 =	sld [smem:$0x3FB3];
	_ =	sdelay $0x3  }
0x34: {  	[smem:$0x3FB3] =	sst s10  }
0x35: {  	s10 =	sld [smem:$0x3FB2];
	_ =	sdelay $0x3  }
0x36: {  	p1 =	seq.s32 s10, $0x1;
	s10 =	sld [smem:$0x3FB3];
	_ =	sdelay $0x3  }
0x37: {  	[smem:$0x3FB3] =	sst s10  }
0x38: {  	s10 =	sld [smem:$0x3FB4]  }
0x39: {  	_ = 	snop;
	(pc) =	sbr.ind lr, $3  }
0x3a: {  	_ = 	snop  }
0x3b: {  	_ = 	snop  }
0x3c: {  	p2 =	seq.s32 s10, $0x1;
	s10 =	sld [smem:$0x3FB3]  }
0x3d: {  	_ =	shalt  }
0x3e: {  	_ =	shalt  }
0x3f: {  	_ =	shalt  }
0x40: {  	_ =	shalt  }
0x41: {  	_ =	shalt  }
0x42: {  	_ =	shalt  }
0x43: {  	_ =	shalt  }
0x44: {  	_ =	shalt  }
0x45: {  	_ =	shalt  }
0x46: {  	_ =	shalt  }
0x47: {  	_ =	shalt  }
0x48: {  	_ =	shalt  }
0x49: {  	_ =	shalt  }
0x4a: {  	_ =	shalt  }
0x4b: {  	_ =	shalt  }
0x4c: {  	_ =	shalt  }
0x4d: {  	_ =	shalt  }
0x4e: {  	_ =	shalt  }
0x4f: {  	_ =	shalt  }
0x50: {  	_ =	shalt  }
0x51: {  	_ =	shalt  }
0x52: {  	_ =	shalt  }
0x53: {  	_ =	shalt  }
0x54: {  	_ =	shalt  }
0x55: {  	_ =	shalt  }
0x56: {  	_ =	shalt  }
0x57: {  	_ =	shalt  }
0x58: {  	_ =	shalt  }
0x59: {  	_ =	shalt  }
0x5a: {  	_ =	shalt  }
0x5b: {  	_ =	shalt  }
0x5c: {  	_ =	shalt  }
0x5d: {  	_ =	shalt  }
0x5e: {  	_ =	shalt  }
0x5f: {  	_ =	shalt  }
0x60: {  	_ =	shalt  }
0x61: {  	_ =	shalt  }
0x62: {  	_ =	shalt  }
0x63: {  	_ =	shalt  }
0x64: {  	_ =	shalt  }
0x65: {  	_ =	shalt  }
0x66: {  	_ =	shalt  }
0x67: {  	_ =	shalt  }
0x68: {  	_ =	shalt  }
0x69: {  	_ =	shalt  }
0x6a: {  	_ =	shalt  }
0x6b: {  	_ =	shalt  }
0x6c: {  	_ =	shalt  }
0x6d: {  	_ =	shalt  }
0x6e: {  	_ =	shalt  }
0x6f: {  	_ =	shalt  }
0x70: {  	_ =	shalt  }
0x71: {  	_ =	shalt  }
0x72: {  	_ =	shalt  }
0x73: {  	_ =	shalt  }
0x74: {  	_ =	shalt  }
0x75: {  	_ =	shalt  }
0x76: {  	_ =	shalt  }
0x77: {  	_ =	shalt  }
0x78: {  	_ =	shalt  }
0x79: {  	_ =	shalt  }
0x7a: {  	_ =	shalt  }
0x7b: {  	_ =	shalt  }
0x7c: {  	_ =	shalt  }
0x7d: {  	_ =	shalt  }
0x7e: {  	_ =	shalt  }
0x7f: {  	_ =	shalt  }
0x80: {  	_ =	shalt  }
0x81: {  	_ =	shalt  }
0x82: {  	_ =	shalt  }
0x83: {  	_ =	shalt  }
0x84: {  	_ =	shalt  }
0x85: {  	_ =	shalt  }
0x86: {  	_ =	shalt  }
0x87: {  	_ =	shalt  }
.Lfunc_end0:
.L_simem_size_0:
called_computation_lowered:
.L_overlay_start_0:
0x88: {  	s2 =	sld [smem:$0x3FD9]  }
0x89: {  	s3 =	sld [smem:$0x3FFE];
	_ =	sdelay $0x1  }
0x8a: {  	s1 =	srdreg.scid  }
0x8b: {  	s0 =	sand.u32 $0x1, s1  }
0x8c: {  	s17 =	sshll.u32 s0, $0xA;
	s2 =	sadd.s32 s3, s2  }
0x8d: {  	s2 =	sadd.s32 s2, s17  }
0x8e: {  	[smem:$0x3FBF] =	sst s2  }
0x8f: {  	_ = 	snop  }
0x90: {  	s2 =	sld [smem:$0x3FD0];
	(tm) =	ssettm $0x1  }
0x91: {  	s18 =	sld [smem:$0x3FFB];
	_ =	sdelay $0x3  }
0x92: {  	_ =	strace s18  }
0x93: {  	s3 =	sld [smem:$0x3FFC];
	_ =	sdelay $0x3  }
0x94: {  	_ =	strace s3  }
0x95: {  	s3 =	sld [smem:$0x3FFD];
	_ =	sdelay $0x3  }
0x96: {  	_ =	strace s3  }
0x97: {  	_ =	strace $0x8FFFFFFF  }
0x98: {  	s19 =	sld [smem:$0x3FDB];
	_ =	sdelay $0x1  }
0x99: {  	s4 =	simm.s32 $_scs_section_size  }
0x9a: {  	s5 =	simm.s32 $_size__tile_overlayer_lowered;
	s6 =	simm.s32 $_tile_overlayer_lowered  }
0x9b: {  	s22 =	simm.s32 $0x1BFF;
	s21 =	sshll.u32 s6, $0x1;
	s3 =	sadd.s32 s4, s19  }
0x9c: {  	s7 =	simm.s32 $0x0;
	s20 =	sshll.u32 s5, $0x1;
	s5 =	sadd.s32 s21, s3  }
0x9d: {  	[timem:s7], [sflag:s22] =	dma.local [hbm:s5], s20  }
0x9e: {  	_ =	swait.ge [sflag:s22], s20  }
0x9f: {  	s4 =	ssub.s32 $0x0, s20;
	[sflag:s22] =	ssyncset.done $0x0  }
0xa0: {  	[sflag:s22] =	ssyncadd.s32 s4;
	_ =	sdelay $0x1  }
0xa1: {  	s23 =	simm.s32 $0x1B8B  }
0xa2: {  	_ =	swait.ge [sflag:s23], $0x1  }
0xa3: {  	[sflag:s23] =	ssyncset.done $0x0  }
0xa4: {  	s25 =	simm.s32 $0x1B8E;
	s24 =	sld [smem:$0x3FFE];
	[sflag:s23] =	ssyncadd.s32 $0xFFFFFFFF  }
0xa5: {  	s26 =	simm.s32 $execute0_lowered;
	[smem:$0x3FD2] =	sst s25  }
0xa6: {  	s5 =	sshll.u32 s26, $0x1;
	_ =	strace $0x80000046;
	[dreg:$0x1] =	wrdreg $0xFFFFFFFF  }
0xa7: {  	s28 =	simm.s32 $_size_execute0_lowered;
	s3 =	sadd.s32 s3, s5;
	[dreg:$0x0] =	wrdreg $0x0  }
0xa8: {  	s5 =	sshll.u32 s28, $0x1;
	[dreg:$0x2] =	wrdreg s3  }
0xa9: {  	[dreg:$0x3] =	wrdreg s5  }
0xaa: {  	[dreg:$0x4] =	wrdreg $0xC0  }
0xab: {  	_ =	task [dreg:s7], $0x5FFFF  }
0xac: {  	[dreg:$0x1] =	wrdreg $0xFFFFFFFF  }
0xad: {  	[dreg:$0x0] =	wrdreg $0x60  }
0xae: {  	[dreg:$0x2] =	wrdreg s2  }
0xaf: {  	[dreg:$0x3] =	wrdreg s24  }
0xb0: {  	[dreg:$0x4] =	wrdreg $0xA8000  }
0xb1: {  	[dreg:$0x5] =	wrdreg $0x9  }
0xb2: {  	_ =	task.clear_ibuf [dreg:s7], $0x6FFFF;
	_ =	strace $0x90000046  }
0xb3: {  	s29 =	simm.s32 $0x9;
	_ =	strace $0x80000048  }
0xb4: {  	_ =	swait.ge [sflag:s29], $0x1  }
0xb5: {  	[sflag:s29] =	ssyncadd.s32 $0xFFFFFFFF  }
0xb6: {  	_ =	strace $0x90000048  }
0xb7: {  	_ =	sfence  }
0xb8: {  	s30 =	sld [smem:$0x0];
	_ =	sdelay $0x2  }
0xb9: {  	s31 =	sshll.u32 s1, $0xD;
	s1 =	sshrl.u32 s1, $0x2  }
0xba: {  	s3 =	sand.u32 $0x4000, s31;
	s1 =	sadd.s32 s1, s30  }
0xbb: {  	s0 =	sor.u32 s3, s0;
	s1 =	sshll.u32 s1, $0x11  }
0xbc: {  	s0 =	sor.u32 s1, s0  }
0xbd: {  	s0 =	sadd.s32 $0x8F2B, s0  }
0xbe: {  	[sflag:s0] =	ssyncadd.remote.s32 $0x1  }
0xbf: {  	_ =	sfence.sel $0xFFFF  }
0xc0: {  	[dreg:$0x0] =	wrdreg $0xFFFFFFFF;
	(pc) =	sbr.abs _section_cstart, $3  }
0xc1: {  	[dreg:$0x1] =	wrdreg $0xFFFFFFFF  }
0xc2: {  	_ =	task.clear_ibuf [dreg:s7], $0x2FFFF;
	_ =	strace $0x9FFFFFFF  }
0xc3: {  	(tm) =	ssettm $0x7FFFFFFF  }
tec
execute0_lowered:
.L_overlay_start_1:
0x0: {  	(tag) =	ssettag $0x1  }
0x1: {  	s1 =	rddreg [dreg:$0x0]  }
0x2: {  	s8 =	rddreg [dreg:$0x1]  }
0x3: {  	s2 =	rddreg [dreg:$0x2];
	s3 =	simm.s32 $0x0;
	s7 =	srdreg.scid  }
0x4: {  	s0 =	stileid.u32;
	s18 =	simm.s32 $0x1400;
	s19 =	simm.s32 $0x80  }
0x5: {  	s20 =	simm.s32 $0x2800;
	s21 =	simm.s32 $0x6800;
	s22 =	simm.s32 $0x1  }
0x6: {  	s23 =	simm.s32 $0x2;
	s24 =	simm.s32 $0x1380;
	s25 =	simm.s32 $0x2700  }
0x7: {  	s26 =	simm.s32 $0x2780;
	s28 =	simm.s32 $0x0;
	[smem:$0x7FF] =	sst s3  }
0x8: {  	s4 =	sadd.s32 $0x2000, s8;
	s12 =	sadd.s32 $0x2E800, s8;
	s13 =	sadd.s32 $0x29800, s8  }
0x9: {  	s6 =	sadd.s32 $0x33800, s8;
	s16 =	sand.u32 $0x1, s7;
	s10 =	smul.u32 $0x4F000, s0  }
0xa: {  	s7 =	sadd.s32 $0x36000, s8;
	s8 =	sadd.s32 $0x5D800, s8;
	s14 =	smul.u32 $0x2800, s0  }
0xb: {  	s30 =	smul.u32 $0x500, s0;
	s31 =	sshll.u32 s0, $0x6;
	s9 =	ssub.s32 $0x2, s16  }
0xc: {  	_ =	strace $0x80000047;
	p0 =	sne.s32 s16, $0x0;
	s11 =	sshrl.u32 s9, $0x1  }
.Ltmp0:
0xd: {  	s29 =	sshrl.u32 s10, $0x2;
	s14 =	sshrl.u32 s14, $0x3;
	(pc) =	sbr.rel .LBB2_1-.Ltmp0, $4  }
0xe: {  	s10 =	sadd.s32 s12, s30;
	s15 =	ssub.s32 s9, s11;
	s17 =	sadd.s32 s29, s2  }
0xf: {  	s9 =	sor.u32 $0x1C03, s31;
	s14 =	sadd.s32 $0x280, s14;
	s11 =	sadd.s32 s13, s30  }
0x10: {  	s12 =	sadd.s32 s12, s14;
	s13 =	sadd.s32 s13, s14;
	s14 =	smul.u32 $0x2780, s0  }
0x11: {  	s15 =	smax.u32 s15, $0x1;
	s16 =	sshrl.u32 s17, $0x3;
	s17 =	simm.s32 $0x3  }
.LBB2_11:
0x12: {  	s0 =	sadd.s32 $0x80, s29;
	[sflag:s17] =	ssyncadd.s32 $0xFFFFC000  }
0x13: {  	[tilespmem:s21], [sflag:$0x2] =	stream.indirect.gather [hbm4b:s4+s19], $0x80, s0, s19, $0xb8;
	[tilespmem:$0x1E400] =	vst v63  }
0x14: {  	_ =	swait.ge [sflag:s22], $0x4000  }
0x15: {  	[sflag:s22] =	ssyncset.done $0x0  }
0x16: {  	s5 =	sadd.s32 $0x1400, s29;
	[sflag:s22] =	ssyncadd.s32 $0xFFFFC000  }
0x17: {  	[spmem:s2] =	stream.indirect.scatter.add.f32 [tilespmem:s20], [sflag:$0x3], $0x80, s5, s19, $0xb8;
	[tilespmem:$0x1E400] =	vst v63  }
0x18: {  	_ =	swait.ge [sflag:s17], $0x4000  }
0x19: {  	[sflag:s17] =	ssyncset.done $0x0  }
0x1a: {  	s30 =	sadd.s32 $0x100, s29;
	[sflag:s17] =	ssyncadd.s32 $0xFFFFC000  }
0x1b: {  	[tilespmem:s20], [sflag:$0x1] =	stream.indirect.gather [hbm4b:s4+s19], $0x80, s30, s19, $0xb8;
	[tilespmem:$0x1E400] =	vst v63  }
0x1c: {  	_ =	swait.ge [sflag:s23], $0x4000  }
0x1d: {  	[sflag:s23] =	ssyncset.done $0x0  }
0x1e: {  	s31 =	sadd.s32 $0x1480, s29;
	[sflag:s23] =	ssyncadd.s32 $0xFFFFC000  }
0x1f: {  	[spmem:s2] =	stream.indirect.scatter.add.f32 [tilespmem:s21], [sflag:$0x3], $0x80, s31, s19, $0xb8;
	[tilespmem:$0x1E400] =	vst v63  }
0x20: {  	_ =	swait.ge [sflag:s17], $0x4000  }
0x21: {  	[sflag:s17] =	ssyncset.done $0x0  }
0x22: {  	s29 =	smov.u32 s8;
	[sflag:s17] =	ssyncadd.s32 $0xFFFFC000  }
0x23: {  	[tilespmem:s21], [sflag:$0x2] =	stream.indirect.gather [hbm4b:s4+s19], $0x80, s24, s19, $0xb8;
	[tilespmem:$0x1E400] =	vst v63  }
.LBB2_12:
0x24: {  	_ =	swait.ge [sflag:s22], $0x4000  }
0x25: {  	[sflag:s22] =	ssyncset.done $0x0  }
0x26: {  	[sflag:s22] =	ssyncadd.s32 $0xFFFFC000  }
0x27: {  	[spmem:s2] =	stream.indirect.scatter.add.f32 [tilespmem:s20], [sflag:$0x3], $0x80, s25, s19, $0xb8;
	[tilespmem:$0x1E400] =	vst v63  }
0x28: {  	_ =	swait.ge [sflag:s17], $0x4000  }
0x29: {  	[sflag:s17] =	ssyncset.done $0x0  }
0x2a: {  	[sflag:s17] =	ssyncadd.s32 $0xFFFFC000  }
0x2b: {  	_ =	swait.ge [sflag:s23], $0x4000  }
0x2c: {  	[sflag:s23] =	ssyncset.done $0x0  }
0x2d: {  	[sflag:s23] =	ssyncadd.s32 $0xFFFFC000  }
0x2e: {  	[spmem:s2] =	stream.indirect.scatter.add.f32 [tilespmem:s21], [sflag:$0x3], $0x80, s26, s19, $0xb8;
	[tilespmem:$0x1E400] =	vst v63  }
0x2f: {  	_ =	swait.ge [sflag:s17], $0x4000  }
0x30: {  	s28 =	sadd.s32 $0x1, s28;
	[sflag:s17] =	ssyncset.done $0x0  }
0x31: {  	p1 =	sne.s32 s28, s15;
	[sflag:s17] =	ssyncadd.s32 $0xFFFFC000  }
.Ltmp1:
0x32: {  	s0 =	sadd.s32 s29, s14;
	[bflag:$0x0] =	sbarrier.arrive $0xFFFF;
	(pc) =	sbr.rel @!p1 .LBB2_13-.Ltmp1, $4  }
0x33: {  	[hbm:s0], [sflag:s9] =	dma.local [spmem:s16], $0x2780  }
0x34: {  	_ =	swait.ge [sflag:s17], $0x2780  }
0x35: {  	[sflag:s17] =	ssyncset.done $0x0  }
0x36: {  	[sflag:s17] =	ssyncadd.s32 $0xFFFFD880  }
.LBB2_1:
0x37: {  	[spmem:s16], [sflag:s9] =	dma.local [hbm:s6], $0x2780  }
0x38: {  	_ =	swait.ge [sflag:s17], $0x2780  }
0x39: {  	[sflag:s17] =	ssyncset.done $0x0  }
0x3a: {  	[sflag:s17] =	ssyncadd.s32 $0xFFFFD880  }
0x3b: {  	[bflag:$0x0] =	sbarrier.arrive $0xFFFF  }
0x3c: {  	[tilespmem:s3], [sflag:$0x3] =	stream.linear.gather [hbm4b:s10+s3], $0x1400, $0x38;
	[tilespmem:$0x1E400] =	vst v63  }
0x3d: {  	_ =	swait.ge [sflag:s17], $0x1400  }
0x3e: {  	[sflag:s17] =	ssyncset.done $0x0  }
.Ltmp2:
0x3f: {  	[sflag:s17] =	ssyncadd.s32 $0xFFFFEC00;
	(pc) =	sbr.rel @p0 .LBB2_7-.Ltmp2, $4  }
0x40: {  	[tilespmem:s18], [sflag:$0x3] =	stream.linear.gather [hbm4b:s11+s3], $0x1400, $0x38;
	[tilespmem:$0x1E400] =	vst v63  }
0x41: {  	_ =	swait.ge [sflag:s17], $0x1400  }
0x42: {  	[sflag:s17] =	ssyncset.done $0x0  }
0x43: {  	[sflag:s17] =	ssyncadd.s32 $0xFFFFEC00  }
0x44: {  	s29 =	simm.s32 $0x0  }
0x45: {  	[tilespmem:s20], [sflag:$0x1] =	stream.indirect.gather [hbm4b:s1+s19], $0x80, s29, s19, $0xb8;
	[tilespmem:$0x1E400] =	vst v63  }
0x46: {  	s29 =	simm.s32 $0x80  }
0x47: {  	[tilespmem:s21], [sflag:$0x2] =	stream.indirect.gather [hbm4b:s1+s19], $0x80, s29, s19, $0xb8;
	[tilespmem:$0x1E400] =	vst v63  }
0x48: {  	_ =	swait.ge [sflag:s22], $0x4000  }
0x49: {  	[sflag:s22] =	ssyncset.done $0x0  }
0x4a: {  	s29 =	simm.s32 $0x1400;
	[sflag:s22] =	ssyncadd.s32 $0xFFFFC000  }
0x4b: {  	[spmem:s2] =	stream.indirect.scatter.add.f32 [tilespmem:s20], [sflag:$0x3], $0x80, s29, s19, $0xb8;
	[tilespmem:$0x1E400] =	vst v63  }
0x4c: {  	_ =	swait.ge [sflag:s17], $0x4000  }
0x4d: {  	[sflag:s17] =	ssyncset.done $0x0  }
0x4e: {  	s29 =	simm.s32 $0x100;
	[sflag:s17] =	ssyncadd.s32 $0xFFFFC000  }
0x4f: {  	[tilespmem:s20], [sflag:$0x1] =	stream.indirect.gather [hbm4b:s1+s19], $0x80, s29, s19, $0xb8;
	[tilespmem:$0x1E400] =	vst v63  }
0x50: {  	_ =	swait.ge [sflag:s23], $0x4000  }
0x51: {  	[sflag:s23] =	ssyncset.done $0x0  }
0x52: {  	s29 =	simm.s32 $0x1480;
	[sflag:s23] =	ssyncadd.s32 $0xFFFFC000  }
0x53: {  	[spmem:s2] =	stream.indirect.scatter.add.f32 [tilespmem:s21], [sflag:$0x3], $0x80, s29, s19, $0xb8;
	[tilespmem:$0x1E400] =	vst v63  }
0x54: {  	_ =	swait.ge [sflag:s17], $0x4000  }
0x55: {  	s30 =	simm.s32 $0x800;
	s29 =	simm.s32 $0x100;
	[sflag:s17] =	ssyncset.done $0x0  }
.LBB2_3:
0x56: {  	s31 =	sadd.s32 $0x80, s29  }
0x57: {  	[sflag:s17] =	ssyncadd.s32 $0xFFFFC000;
	s0 =	smov.u32 s30;
	s5 =	sadd.s32 $0x400, s30  }
0x58: {  	[tilespmem:s21], [sflag:$0x2] =	stream.indirect.gather [hbm4b:s1+s19], $0x80, s31, s19, $0xb8;
	[tilespmem:$0x1E400] =	vst v63  }
0x59: {  	p1 =	sne.s32 s30, $0x4800;
	_ =	swait.ge [sflag:s22], $0x4000  }
0x5a: {  	[sflag:s22] =	ssyncset.done $0x0  }
0x5b: {  	s30 =	sadd.s32 $0x1400, s29;
	[sflag:s22] =	ssyncadd.s32 $0xFFFFC000  }
0x5c: {  	[spmem:s2] =	stream.indirect.scatter.add.f32 [tilespmem:s20], [sflag:$0x3], $0x80, s30, s19, $0xb8;
	[tilespmem:$0x1E400] =	vst v63  }
0x5d: {  	_ =	swait.ge [sflag:s17], $0x4000  }
0x5e: {  	[sflag:s17] =	ssyncset.done $0x0  }
0x5f: {  	s30 =	sadd.s32 $0x100, s29;
	[sflag:s17] =	ssyncadd.s32 $0xFFFFC000  }
0x60: {  	[tilespmem:s20], [sflag:$0x1] =	stream.indirect.gather [hbm4b:s1+s19], $0x80, s30, s19, $0xb8;
	[tilespmem:$0x1E400] =	vst v63  }
0x61: {  	_ =	swait.ge [sflag:s23], $0x4000  }
.Ltmp3:
0x62: {  	[sflag:s23] =	ssyncset.done $0x0;
	(pc) =	sbr.rel @p1 .LBB2_3-.Ltmp3, $4  }
0x63: {  	s29 =	sadd.s32 $0x1480, s29;
	[sflag:s23] =	ssyncadd.s32 $0xFFFFC000  }
0x64: {  	[spmem:s2] =	stream.indirect.scatter.add.f32 [tilespmem:s21], [sflag:$0x3], $0x80, s29, s19, $0xb8;
	[tilespmem:$0x1E400] =	vst v63  }
0x65: {  	_ =	swait.ge [sflag:s17], $0x4000  }
0x66: {  	s30 =	smov.u32 s5;
	s29 =	sshra.s32 s0, $0x2;
	[sflag:s17] =	ssyncset.done $0x0  }
0x67: {  	s0 =	sadd.s32 $0x80, s29;
	[sflag:s17] =	ssyncadd.s32 $0xFFFFC000  }
0x68: {  	[tilespmem:s21], [sflag:$0x2] =	stream.indirect.gather [hbm4b:s1+s19], $0x80, s0, s19, $0xb8;
	[tilespmem:$0x1E400] =	vst v63  }
0x69: {  	_ =	swait.ge [sflag:s22], $0x4000  }
0x6a: {  	[sflag:s22] =	ssyncset.done $0x0  }
0x6b: {  	s5 =	sadd.s32 $0x1400, s29;
	[sflag:s22] =	ssyncadd.s32 $0xFFFFC000  }
0x6c: {  	[spmem:s2] =	stream.indirect.scatter.add.f32 [tilespmem:s20], [sflag:$0x3], $0x80, s5, s19, $0xb8;
	[tilespmem:$0x1E400] =	vst v63  }
0x6d: {  	_ =	swait.ge [sflag:s17], $0x4000  }
0x6e: {  	[sflag:s17] =	ssyncset.done $0x0  }
0x6f: {  	s31 =	sadd.s32 $0x100, s29;
	[sflag:s17] =	ssyncadd.s32 $0xFFFFC000  }
0x70: {  	[tilespmem:s20], [sflag:$0x1] =	stream.indirect.gather [hbm4b:s1+s19], $0x80, s31, s19, $0xb8;
	[tilespmem:$0x1E400] =	vst v63  }
0x71: {  	_ =	swait.ge [sflag:s23], $0x4000  }
0x72: {  	[sflag:s23] =	ssyncset.done $0x0  }
0x73: {  	s5 =	sadd.s32 $0x1480, s29;
	[sflag:s23] =	ssyncadd.s32 $0xFFFFC000  }
0x74: {  	[spmem:s2] =	stream.indirect.scatter.add.f32 [tilespmem:s21], [sflag:$0x3], $0x80, s5, s19, $0xb8;
	[tilespmem:$0x1E400] =	vst v63  }
0x75: {  	_ =	swait.ge [sflag:s17], $0x4000  }
0x76: {  	[sflag:s17] =	ssyncset.done $0x0  }
0x77: {  	[sflag:s17] =	ssyncadd.s32 $0xFFFFC000  }
0x78: {  	[tilespmem:s21], [sflag:$0x2] =	stream.indirect.gather [hbm4b:s1+s19], $0x80, s24, s19, $0xb8;
	[tilespmem:$0x1E400] =	vst v63  }
0x79: {  	_ =	swait.ge [sflag:s22], $0x4000  }
0x7a: {  	[sflag:s22] =	ssyncset.done $0x0  }
0x7b: {  	[sflag:s22] =	ssyncadd.s32 $0xFFFFC000  }
0x7c: {  	[spmem:s2] =	stream.indirect.scatter.add.f32 [tilespmem:s20], [sflag:$0x3], $0x80, s25, s19, $0xb8;
	[tilespmem:$0x1E400] =	vst v63  }
0x7d: {  	_ =	swait.ge [sflag:s17], $0x4000  }
0x7e: {  	[sflag:s17] =	ssyncset.done $0x0  }
0x7f: {  	[sflag:s17] =	ssyncadd.s32 $0xFFFFC000  }
0x80: {  	_ =	swait.ge [sflag:s23], $0x4000  }
0x81: {  	[sflag:s23] =	ssyncset.done $0x0  }
0x82: {  	[sflag:s23] =	ssyncadd.s32 $0xFFFFC000  }
0x83: {  	[spmem:s2] =	stream.indirect.scatter.add.f32 [tilespmem:s21], [sflag:$0x3], $0x80, s26, s19, $0xb8;
	[tilespmem:$0x1E400] =	vst v63  }
0x84: {  	_ =	swait.ge [sflag:s17], $0x4000  }
0x85: {  	[sflag:s17] =	ssyncset.done $0x0  }
0x86: {  	s31 =	simm.s32 $0x0;
	[sflag:s17] =	ssyncadd.s32 $0xFFFFC000  }
0x87: {  	[tilespmem:s31], [sflag:$0x3] =	stream.linear.gather [hbm4b:s12+s31], $0x1400, $0x38;
	[tilespmem:$0x1E400] =	vst v63  }
0x88: {  	_ =	swait.ge [sflag:s17], $0x1400  }
0x89: {  	[sflag:s17] =	ssyncset.done $0x0  }
0x8a: {  	[sflag:s17] =	ssyncadd.s32 $0xFFFFEC00  }
0x8b: {  	[tilespmem:s18], [sflag:$0x3] =	stream.linear.gather [hbm4b:s13+s31], $0x1400, $0x38;
	[tilespmem:$0x1E400] =	vst v63  }
0x8c: {  	_ =	swait.ge [sflag:s17], $0x1400  }
0x8d: {  	[sflag:s17] =	ssyncset.done $0x0  }
0x8e: {  	[sflag:s17] =	ssyncadd.s32 $0xFFFFEC00  }
0x8f: {  	[tilespmem:s20], [sflag:$0x1] =	stream.indirect.gather [hbm4b:s1+s19], $0x80, s31, s19, $0xb8;
	[tilespmem:$0x1E400] =	vst v63  }
0x90: {  	s5 =	simm.s32 $0x80  }
0x91: {  	[tilespmem:s21], [sflag:$0x2] =	stream.indirect.gather [hbm4b:s1+s19], $0x80, s5, s19, $0xb8;
	[tilespmem:$0x1E400] =	vst v63  }
0x92: {  	_ =	swait.ge [sflag:s22], $0x4000  }
0x93: {  	[sflag:s22] =	ssyncset.done $0x0  }
0x94: {  	s31 =	simm.s32 $0x1400;
	[sflag:s22] =	ssyncadd.s32 $0xFFFFC000  }
0x95: {  	[spmem:s2] =	stream.indirect.scatter.add.f32 [tilespmem:s20], [sflag:$0x3], $0x80, s31, s19, $0xb8;
	[tilespmem:$0x1E400] =	vst v63  }
0x96: {  	_ =	swait.ge [sflag:s17], $0x4000  }
0x97: {  	[sflag:s17] =	ssyncset.done $0x0  }
0x98: {  	s5 =	simm.s32 $0x100;
	[sflag:s17] =	ssyncadd.s32 $0xFFFFC000  }
0x99: {  	[tilespmem:s20], [sflag:$0x1] =	stream.indirect.gather [hbm4b:s1+s19], $0x80, s5, s19, $0xb8;
	[tilespmem:$0x1E400] =	vst v63  }
0x9a: {  	_ =	swait.ge [sflag:s23], $0x4000  }
0x9b: {  	[sflag:s23] =	ssyncset.done $0x0  }
0x9c: {  	s31 =	simm.s32 $0x1480;
	[sflag:s23] =	ssyncadd.s32 $0xFFFFC000  }
0x9d: {  	[spmem:s2] =	stream.indirect.scatter.add.f32 [tilespmem:s21], [sflag:$0x3], $0x80, s31, s19, $0xb8;
	[tilespmem:$0x1E400] =	vst v63  }
0x9e: {  	_ =	swait.ge [sflag:s17], $0x4000  }
0x9f: {  	s30 =	simm.s32 $0x800;
	s29 =	simm.s32 $0x100;
	[sflag:s17] =	ssyncset.done $0x0  }
.LBB2_5:
0xa0: {  	s0 =	sadd.s32 $0x80, s29  }
0xa1: {  	[sflag:s17] =	ssyncadd.s32 $0xFFFFC000;
	s5 =	smov.u32 s30;
	s31 =	sadd.s32 $0x400, s30  }
0xa2: {  	[tilespmem:s21], [sflag:$0x2] =	stream.indirect.gather [hbm4b:s1+s19], $0x80, s0, s19, $0xb8;
	[tilespmem:$0x1E400] =	vst v63  }
0xa3: {  	p1 =	sne.s32 s30, $0x4800;
	_ =	swait.ge [sflag:s22], $0x4000  }
0xa4: {  	[sflag:s22] =	ssyncset.done $0x0  }
0xa5: {  	s0 =	sadd.s32 $0x1400, s29;
	[sflag:s22] =	ssyncadd.s32 $0xFFFFC000  }
0xa6: {  	[spmem:s2] =	stream.indirect.scatter.add.f32 [tilespmem:s20], [sflag:$0x3], $0x80, s0, s19, $0xb8;
	[tilespmem:$0x1E400] =	vst v63  }
0xa7: {  	_ =	swait.ge [sflag:s17], $0x4000  }
0xa8: {  	[sflag:s17] =	ssyncset.done $0x0  }
0xa9: {  	s0 =	sadd.s32 $0x100, s29;
	[sflag:s17] =	ssyncadd.s32 $0xFFFFC000  }
0xaa: {  	[tilespmem:s20], [sflag:$0x1] =	stream.indirect.gather [hbm4b:s1+s19], $0x80, s0, s19, $0xb8;
	[tilespmem:$0x1E400] =	vst v63  }
0xab: {  	_ =	swait.ge [sflag:s23], $0x4000  }
.Ltmp4:
0xac: {  	[sflag:s23] =	ssyncset.done $0x0;
	(pc) =	sbr.rel @p1 .LBB2_5-.Ltmp4, $4  }
0xad: {  	s0 =	sadd.s32 $0x1480, s29;
	[sflag:s23] =	ssyncadd.s32 $0xFFFFC000  }
0xae: {  	[spmem:s2] =	stream.indirect.scatter.add.f32 [tilespmem:s21], [sflag:$0x3], $0x80, s0, s19, $0xb8;
	[tilespmem:$0x1E400] =	vst v63  }
0xaf: {  	_ =	swait.ge [sflag:s17], $0x4000  }
0xb0: {  	s30 =	smov.u32 s31;
	s29 =	sshra.s32 s5, $0x2;
	[sflag:s17] =	ssyncset.done $0x0  }
0xb1: {  	s0 =	sadd.s32 $0x80, s29;
	[sflag:s17] =	ssyncadd.s32 $0xFFFFC000  }
0xb2: {  	[tilespmem:s21], [sflag:$0x2] =	stream.indirect.gather [hbm4b:s1+s19], $0x80, s0, s19, $0xb8;
	[tilespmem:$0x1E400] =	vst v63  }
0xb3: {  	_ =	swait.ge [sflag:s22], $0x4000  }
0xb4: {  	[sflag:s22] =	ssyncset.done $0x0  }
0xb5: {  	s5 =	sadd.s32 $0x1400, s29;
	[sflag:s22] =	ssyncadd.s32 $0xFFFFC000  }
0xb6: {  	[spmem:s2] =	stream.indirect.scatter.add.f32 [tilespmem:s20], [sflag:$0x3], $0x80, s5, s19, $0xb8;
	[tilespmem:$0x1E400] =	vst v63  }
0xb7: {  	_ =	swait.ge [sflag:s17], $0x4000  }
0xb8: {  	[sflag:s17] =	ssyncset.done $0x0  }
0xb9: {  	s30 =	sadd.s32 $0x100, s29;
	[sflag:s17] =	ssyncadd.s32 $0xFFFFC000  }
0xba: {  	[tilespmem:s20], [sflag:$0x1] =	stream.indirect.gather [hbm4b:s1+s19], $0x80, s30, s19, $0xb8;
	[tilespmem:$0x1E400] =	vst v63  }
0xbb: {  	_ =	swait.ge [sflag:s23], $0x4000  }
0xbc: {  	[sflag:s23] =	ssyncset.done $0x0  }
0xbd: {  	s31 =	sadd.s32 $0x1480, s29;
	[sflag:s23] =	ssyncadd.s32 $0xFFFFC000  }
0xbe: {  	[spmem:s2] =	stream.indirect.scatter.add.f32 [tilespmem:s21], [sflag:$0x3], $0x80, s31, s19, $0xb8;
	[tilespmem:$0x1E400] =	vst v63  }
.Ltmp5:
0xbf: {  	_ = 	snop;
	(pc) =	sbr.rel .LBB2_12-.Ltmp5, $4  }
0xc0: {  	_ =	swait.ge [sflag:s17], $0x4000  }
0xc1: {  	[sflag:s17] =	ssyncset.done $0x0  }
0xc2: {  	s29 =	smov.u32 s7;
	[sflag:s17] =	ssyncadd.s32 $0xFFFFC000  }
0xc3: {  	[tilespmem:s21], [sflag:$0x2] =	stream.indirect.gather [hbm4b:s1+s19], $0x80, s24, s19, $0xb8;
	[tilespmem:$0x1E400] =	vst v63  }
.LBB2_7:
0xc4: {  	s0 =	simm.s32 $0x0  }
0xc5: {  	[tilespmem:s20], [sflag:$0x1] =	stream.indirect.gather [hbm4b:s4+s19], $0x80, s0, s19, $0xb8;
	[tilespmem:$0x1E400] =	vst v63  }
0xc6: {  	s5 =	simm.s32 $0x80  }
0xc7: {  	[tilespmem:s21], [sflag:$0x2] =	stream.indirect.gather [hbm4b:s4+s19], $0x80, s5, s19, $0xb8;
	[tilespmem:$0x1E400] =	vst v63  }
0xc8: {  	_ =	swait.ge [sflag:s22], $0x4000  }
0xc9: {  	[sflag:s22] =	ssyncset.done $0x0  }
0xca: {  	s31 =	simm.s32 $0x1400;
	[sflag:s22] =	ssyncadd.s32 $0xFFFFC000  }
0xcb: {  	[spmem:s2] =	stream.indirect.scatter.add.f32 [tilespmem:s20], [sflag:$0x3], $0x80, s31, s19, $0xb8;
	[tilespmem:$0x1E400] =	vst v63  }
0xcc: {  	_ =	swait.ge [sflag:s17], $0x4000  }
0xcd: {  	[sflag:s17] =	ssyncset.done $0x0  }
0xce: {  	s5 =	simm.s32 $0x100;
	[sflag:s17] =	ssyncadd.s32 $0xFFFFC000  }
0xcf: {  	[tilespmem:s20], [sflag:$0x1] =	stream.indirect.gather [hbm4b:s4+s19], $0x80, s5, s19, $0xb8;
	[tilespmem:$0x1E400] =	vst v63  }
0xd0: {  	_ =	swait.ge [sflag:s23], $0x4000  }
0xd1: {  	[sflag:s23] =	ssyncset.done $0x0  }
0xd2: {  	s31 =	simm.s32 $0x1480;
	[sflag:s23] =	ssyncadd.s32 $0xFFFFC000  }
0xd3: {  	[spmem:s2] =	stream.indirect.scatter.add.f32 [tilespmem:s21], [sflag:$0x3], $0x80, s31, s19, $0xb8;
	[tilespmem:$0x1E400] =	vst v63  }
0xd4: {  	_ =	swait.ge [sflag:s17], $0x4000  }
0xd5: {  	s30 =	simm.s32 $0x800;
	s29 =	simm.s32 $0x100;
	[sflag:s17] =	ssyncset.done $0x0  }
.LBB2_8:
0xd6: {  	s0 =	sadd.s32 $0x80, s29  }
0xd7: {  	[sflag:s17] =	ssyncadd.s32 $0xFFFFC000;
	s5 =	smov.u32 s30;
	s31 =	sadd.s32 $0x400, s30  }
0xd8: {  	[tilespmem:s21], [sflag:$0x2] =	stream.indirect.gather [hbm4b:s4+s19], $0x80, s0, s19, $0xb8;
	[tilespmem:$0x1E400] =	vst v63  }
0xd9: {  	p1 =	sne.s32 s30, $0x4800;
	_ =	swait.ge [sflag:s22], $0x4000  }
0xda: {  	[sflag:s22] =	ssyncset.done $0x0  }
0xdb: {  	s0 =	sadd.s32 $0x1400, s29;
	[sflag:s22] =	ssyncadd.s32 $0xFFFFC000  }
0xdc: {  	[spmem:s2] =	stream.indirect.scatter.add.f32 [tilespmem:s20], [sflag:$0x3], $0x80, s0, s19, $0xb8;
	[tilespmem:$0x1E400] =	vst v63  }
0xdd: {  	_ =	swait.ge [sflag:s17], $0x4000  }
0xde: {  	[sflag:s17] =	ssyncset.done $0x0  }
0xdf: {  	s0 =	sadd.s32 $0x100, s29;
	[sflag:s17] =	ssyncadd.s32 $0xFFFFC000  }
0xe0: {  	[tilespmem:s20], [sflag:$0x1] =	stream.indirect.gather [hbm4b:s4+s19], $0x80, s0, s19, $0xb8;
	[tilespmem:$0x1E400] =	vst v63  }
0xe1: {  	_ =	swait.ge [sflag:s23], $0x4000  }
.Ltmp6:
0xe2: {  	[sflag:s23] =	ssyncset.done $0x0;
	(pc) =	sbr.rel @p1 .LBB2_8-.Ltmp6, $4  }
0xe3: {  	s0 =	sadd.s32 $0x1480, s29;
	[sflag:s23] =	ssyncadd.s32 $0xFFFFC000  }
0xe4: {  	[spmem:s2] =	stream.indirect.scatter.add.f32 [tilespmem:s21], [sflag:$0x3], $0x80, s0, s19, $0xb8;
	[tilespmem:$0x1E400] =	vst v63  }
0xe5: {  	_ =	swait.ge [sflag:s17], $0x4000  }
0xe6: {  	s30 =	smov.u32 s31;
	s29 =	sshra.s32 s5, $0x2;
	[sflag:s17] =	ssyncset.done $0x0  }
0xe7: {  	s0 =	sadd.s32 $0x80, s29;
	[sflag:s17] =	ssyncadd.s32 $0xFFFFC000  }
0xe8: {  	[tilespmem:s21], [sflag:$0x2] =	stream.indirect.gather [hbm4b:s4+s19], $0x80, s0, s19, $0xb8;
	[tilespmem:$0x1E400] =	vst v63  }
0xe9: {  	_ =	swait.ge [sflag:s22], $0x4000  }
0xea: {  	[sflag:s22] =	ssyncset.done $0x0  }
0xeb: {  	s5 =	sadd.s32 $0x1400, s29;
	[sflag:s22] =	ssyncadd.s32 $0xFFFFC000  }
0xec: {  	[spmem:s2] =	stream.indirect.scatter.add.f32 [tilespmem:s20], [sflag:$0x3], $0x80, s5, s19, $0xb8;
	[tilespmem:$0x1E400] =	vst v63  }
0xed: {  	_ =	swait.ge [sflag:s17], $0x4000  }
0xee: {  	[sflag:s17] =	ssyncset.done $0x0  }
0xef: {  	s31 =	sadd.s32 $0x100, s29;
	[sflag:s17] =	ssyncadd.s32 $0xFFFFC000  }
0xf0: {  	[tilespmem:s20], [sflag:$0x1] =	stream.indirect.gather [hbm4b:s4+s19], $0x80, s31, s19, $0xb8;
	[tilespmem:$0x1E400] =	vst v63  }
0xf1: {  	_ =	swait.ge [sflag:s23], $0x4000  }
0xf2: {  	[sflag:s23] =	ssyncset.done $0x0  }
0xf3: {  	s5 =	sadd.s32 $0x1480, s29;
	[sflag:s23] =	ssyncadd.s32 $0xFFFFC000  }
0xf4: {  	[spmem:s2] =	stream.indirect.scatter.add.f32 [tilespmem:s21], [sflag:$0x3], $0x80, s5, s19, $0xb8;
	[tilespmem:$0x1E400] =	vst v63  }
0xf5: {  	_ =	swait.ge [sflag:s17], $0x4000  }
0xf6: {  	[sflag:s17] =	ssyncset.done $0x0  }
0xf7: {  	[sflag:s17] =	ssyncadd.s32 $0xFFFFC000  }
0xf8: {  	[tilespmem:s21], [sflag:$0x2] =	stream.indirect.gather [hbm4b:s4+s19], $0x80, s24, s19, $0xb8;
	[tilespmem:$0x1E400] =	vst v63  }
0xf9: {  	_ =	swait.ge [sflag:s22], $0x4000  }
0xfa: {  	[sflag:s22] =	ssyncset.done $0x0  }
0xfb: {  	[sflag:s22] =	ssyncadd.s32 $0xFFFFC000  }
0xfc: {  	[spmem:s2] =	stream.indirect.scatter.add.f32 [tilespmem:s20], [sflag:$0x3], $0x80, s25, s19, $0xb8;
	[tilespmem:$0x1E400] =	vst v63  }
0xfd: {  	_ =	swait.ge [sflag:s17], $0x4000  }
0xfe: {  	[sflag:s17] =	ssyncset.done $0x0  }
0xff: {  	[sflag:s17] =	ssyncadd.s32 $0xFFFFC000  }
0x100: {  	_ =	swait.ge [sflag:s23], $0x4000  }
0x101: {  	[sflag:s23] =	ssyncset.done $0x0  }
0x102: {  	[sflag:s23] =	ssyncadd.s32 $0xFFFFC000  }
0x103: {  	[spmem:s2] =	stream.indirect.scatter.add.f32 [tilespmem:s21], [sflag:$0x3], $0x80, s26, s19, $0xb8;
	[tilespmem:$0x1E400] =	vst v63  }
0x104: {  	_ =	swait.ge [sflag:s17], $0x4000  }
0x105: {  	[sflag:s17] =	ssyncset.done $0x0  }
0x106: {  	s31 =	simm.s32 $0x0;
	[sflag:s17] =	ssyncadd.s32 $0xFFFFC000  }
0x107: {  	[tilespmem:s31], [sflag:$0x3] =	stream.linear.gather [hbm4b:s12+s31], $0x1400, $0x38;
	[tilespmem:$0x1E400] =	vst v63  }
0x108: {  	_ =	swait.ge [sflag:s17], $0x1400  }
0x109: {  	[sflag:s17] =	ssyncset.done $0x0  }
0x10a: {  	[sflag:s17] =	ssyncadd.s32 $0xFFFFEC00  }
0x10b: {  	[tilespmem:s18], [sflag:$0x3] =	stream.linear.gather [hbm4b:s13+s31], $0x1400, $0x38;
	[tilespmem:$0x1E400] =	vst v63  }
0x10c: {  	_ =	swait.ge [sflag:s17], $0x1400  }
0x10d: {  	[sflag:s17] =	ssyncset.done $0x0  }
0x10e: {  	[sflag:s17] =	ssyncadd.s32 $0xFFFFEC00  }
0x10f: {  	[tilespmem:s20], [sflag:$0x1] =	stream.indirect.gather [hbm4b:s4+s19], $0x80, s31, s19, $0xb8;
	[tilespmem:$0x1E400] =	vst v63  }
0x110: {  	s5 =	simm.s32 $0x80  }
0x111: {  	[tilespmem:s21], [sflag:$0x2] =	stream.indirect.gather [hbm4b:s4+s19], $0x80, s5, s19, $0xb8;
	[tilespmem:$0x1E400] =	vst v63  }
0x112: {  	_ =	swait.ge [sflag:s22], $0x4000  }
0x113: {  	[sflag:s22] =	ssyncset.done $0x0  }
0x114: {  	s31 =	simm.s32 $0x1400;
	[sflag:s22] =	ssyncadd.s32 $0xFFFFC000  }
0x115: {  	[spmem:s2] =	stream.indirect.scatter.add.f32 [tilespmem:s20], [sflag:$0x3], $0x80, s31, s19, $0xb8;
	[tilespmem:$0x1E400] =	vst v63  }
0x116: {  	_ =	swait.ge [sflag:s17], $0x4000  }
0x117: {  	[sflag:s17] =	ssyncset.done $0x0  }
0x118: {  	s5 =	simm.s32 $0x100;
	[sflag:s17] =	ssyncadd.s32 $0xFFFFC000  }
0x119: {  	[tilespmem:s20], [sflag:$0x1] =	stream.indirect.gather [hbm4b:s4+s19], $0x80, s5, s19, $0xb8;
	[tilespmem:$0x1E400] =	vst v63  }
0x11a: {  	_ =	swait.ge [sflag:s23], $0x4000  }
0x11b: {  	[sflag:s23] =	ssyncset.done $0x0  }
0x11c: {  	s31 =	simm.s32 $0x1480;
	[sflag:s23] =	ssyncadd.s32 $0xFFFFC000  }
0x11d: {  	[spmem:s2] =	stream.indirect.scatter.add.f32 [tilespmem:s21], [sflag:$0x3], $0x80, s31, s19, $0xb8;
	[tilespmem:$0x1E400] =	vst v63  }
0x11e: {  	_ =	swait.ge [sflag:s17], $0x4000  }
0x11f: {  	s30 =	simm.s32 $0x800;
	s29 =	simm.s32 $0x100;
	[sflag:s17] =	ssyncset.done $0x0  }
.LBB2_10:
0x120: {  	s0 =	sadd.s32 $0x80, s29  }
0x121: {  	[sflag:s17] =	ssyncadd.s32 $0xFFFFC000;
	s5 =	smov.u32 s30;
	s31 =	sadd.s32 $0x400, s30  }
0x122: {  	[tilespmem:s21], [sflag:$0x2] =	stream.indirect.gather [hbm4b:s4+s19], $0x80, s0, s19, $0xb8;
	[tilespmem:$0x1E400] =	vst v63  }
0x123: {  	p1 =	sne.s32 s30, $0x4800;
	_ =	swait.ge [sflag:s22], $0x4000  }
0x124: {  	[sflag:s22] =	ssyncset.done $0x0  }
0x125: {  	s0 =	sadd.s32 $0x1400, s29;
	[sflag:s22] =	ssyncadd.s32 $0xFFFFC000  }
0x126: {  	[spmem:s2] =	stream.indirect.scatter.add.f32 [tilespmem:s20], [sflag:$0x3], $0x80, s0, s19, $0xb8;
	[tilespmem:$0x1E400] =	vst v63  }
0x127: {  	_ =	swait.ge [sflag:s17], $0x4000  }
0x128: {  	[sflag:s17] =	ssyncset.done $0x0  }
0x129: {  	s0 =	sadd.s32 $0x100, s29;
	[sflag:s17] =	ssyncadd.s32 $0xFFFFC000  }
0x12a: {  	[tilespmem:s20], [sflag:$0x1] =	stream.indirect.gather [hbm4b:s4+s19], $0x80, s0, s19, $0xb8;
	[tilespmem:$0x1E400] =	vst v63  }
0x12b: {  	_ =	swait.ge [sflag:s23], $0x4000  }
.Ltmp7:
0x12c: {  	[sflag:s23] =	ssyncset.done $0x0;
	(pc) =	sbr.rel @p1 .LBB2_10-.Ltmp7, $4  }
0x12d: {  	s0 =	sadd.s32 $0x1480, s29;
	[sflag:s23] =	ssyncadd.s32 $0xFFFFC000  }
0x12e: {  	[spmem:s2] =	stream.indirect.scatter.add.f32 [tilespmem:s21], [sflag:$0x3], $0x80, s0, s19, $0xb8;
	[tilespmem:$0x1E400] =	vst v63  }
0x12f: {  	_ =	swait.ge [sflag:s17], $0x4000  }
0x130: {  	s30 =	smov.u32 s31;
	s29 =	sshra.s32 s5, $0x2;
	[sflag:s17] =	ssyncset.done $0x0  }
.Ltmp8:
0x131: {  	_ = 	snop;
	(pc) =	sbr.rel .LBB2_11-.Ltmp8, $1  }
0x132: {  	_ =	sdelay $0x3  }
.LBB2_13:
0x133: {  	_ =	sfence.sel $0x180000  }
0x134: {  	[bflag:$0x0] =	sbarrier.arrive $0xFFFF  }
0x135: {  	_ =	strace $0x90000047  }
0x136: {  	s0 =	stileid.u32;
	[bflag:$0x2] =	sbarrier.arrive $0xFFFF  }
0x137: {  	p0 =	sne.s32 s0, $0x0;
	s0 =	rddreg [dreg:$0x3]  }
0x138: {  	s0 =	sadd.s32 @!p0 $0x100000, s0  }
0x139: {  	[sflag:s0] =	ssyncadd.tile.s32 @!p0 $0x1;
	_ =	shalt  }
.Lfunc_end2:
_tile_overlayer_lowered:
.L_overlay_start_2:
0x13a: {  	(tag) =	ssettag $0x2  }
0x13b: {  	s0 =	rddreg [dreg:$0x0];
	s2 =	stileid.u32  }
0x13c: {  	s1 =	rddreg [dreg:$0x1];
	p0 =	sne.s32 s2, $0x0  }
0x13d: {  	s3 =	rddreg [dreg:$0x2];
	[bflag:$0x3] =	sbarrier.arrive $0xFFFF;
	s2 =	simm.s32 @!p0 $0x1C03  }
0x13e: {  	[timem:s3], [sflag:s2] =	dma.local @!p0 [hbm:s0], s1  }
0x13f: {  	s0 =	simm.s32 @!p0 $0x3  }
0x140: {  	_ =	swait.ge @!p0 [sflag:s0], s1  }
0x141: {  	s1 =	ssub.s32 @!p0 $0x0, s1;
	[sflag:s0] =	ssyncset.done @!p0 $0x0  }
0x142: {  	[sflag:s0] =	ssyncadd.s32 @!p0 s1  }
0x143: {  	[bflag:$0x3] =	sbarrier.arrive $0xFFFF  }
0x144: {  	_ =	shalt  }

</sc_bundles>
